<compile_context>
chip_gen: v7x
topology: tpu7x:2x2x1
jax: 0.10.2.dev20260603
libtpu: 0.0.44.dev20260713+nightly
codegen_flags: <defaults>
</compile_context>

<pallas_src>
import functools

import jax
import jax.numpy as jnp
import numpy as np
from jax import lax
from jax.experimental import pallas as pl
from jax.experimental.pallas import tpu as pltpu
from jax.experimental.pallas import tpu_sc as plsc

_NB = 8
_SP = 24
_N = 2048
_TM = 1152
_NW = 32


def _knn_select_kernel(pc_ref, gct_ref, idx_ref, w_ref):
    pc = pc_ref[0]
    gct = gct_ref[0]
    pn = jnp.sum(pc * pc, axis=1, keepdims=True)
    gn = jnp.sum(gct * gct, axis=0, keepdims=True)
    dot = jax.lax.dot_general(
        pc, gct, (((1,), (0,)), ((), ())),
        precision=jax.lax.Precision.DEFAULT,
        preferred_element_type=jnp.float32)
    work = (pn + gn) - 2.0 * dot
    col = jax.lax.broadcasted_iota(jnp.int32, work.shape, 0)
    wb = jax.lax.bitcast_convert_type(work, jnp.int32)
    work = jax.lax.bitcast_convert_type((wb & ~0x7FF) | col, jnp.float32)
    top = work[:_N // 2]
    bot = work[_N // 2:]
    lo = jnp.minimum(top, bot)
    hi = jnp.maximum(top, bot)
    for i in range(_NB):
        m = jnp.min(lo, axis=0, keepdims=True)
        sel = lo == m
        mb = jax.lax.bitcast_convert_type(m, jnp.int32)
        mval = jax.lax.bitcast_convert_type(mb & ~0x7FF, jnp.float32)
        wi = 1.0 / jnp.square(jnp.sqrt(jnp.maximum(mval, 0.0)) + 1e-8)
        idx_ref[0, i:i + 1, :] = mb & 0x7FF
        w_ref[0, i:i + 1, :] = wi
        lo = jnp.where(sel, hi, lo)
        hi = jnp.where(sel, jnp.float32(jnp.inf), hi)


def _sc_combine(idx_hbm, w_hbm, flow_hbm, out_hbm, idx_v, w_v, flow_v, out_v):
    nq = idx_hbm.shape[0] // _NB
    m = _SP ** 3
    chunk = nq // _NW
    wid = lax.axis_index("s") * 2 + lax.axis_index("c")
    base = wid * chunk
    b = base // m
    off = base - b * m
    pltpu.sync_copy(flow_hbm.at[pl.ds(b * 3 * _N, 3 * _N)], flow_v)
    for k in range(_NB):
        src = (b * _NB + k) * m + off
        pltpu.sync_copy(idx_hbm.at[pl.ds(src, chunk)],
                        idx_v.at[pl.ds(k * chunk, chunk)])
        pltpu.sync_copy(w_hbm.at[pl.ds(src, chunk)],
                        w_v.at[pl.ds(k * chunk, chunk)])

    def body(j, carry):
        q = j * 16
        acc_x = jnp.zeros((16,), jnp.float32)
        acc_y = jnp.zeros((16,), jnp.float32)
        acc_z = jnp.zeros((16,), jnp.float32)
        dsum = jnp.zeros((16,), jnp.float32)
        for k in range(_NB):
            ik = idx_v[pl.ds(k * chunk + q, 16)]
            wk = w_v[pl.ds(k * chunk + q, 16)]
            gx = plsc.load_gather(flow_v, [ik])
            gy = plsc.load_gather(flow_v, [ik + _N])
            gz = plsc.load_gather(flow_v, [ik + 2 * _N])
            acc_x = acc_x + wk * gx
            acc_y = acc_y + wk * gy
            acc_z = acc_z + wk * gz
            dsum = dsum + wk
        inv = 1.0 / dsum
        out_v[pl.ds(q, 16)] = acc_x * inv
        out_v[pl.ds(chunk + q, 16)] = acc_y * inv
        out_v[pl.ds(2 * chunk + q, 16)] = acc_z * inv
        return carry

    lax.fori_loop(0, chunk // 16, body, 0)
    for c in range(3):
        pltpu.sync_copy(out_v.at[pl.ds(c * chunk, chunk)],
                        out_hbm.at[pl.ds(c * nq + base, chunk)])


def _div_kernel(fx_ref, fy_ref, fz_ref, out_ref):
    h = 2.0 * np.pi / _SP
    fx = fx_ref[...]
    fy = fy_ref[...]
    fz = fz_ref[...]
    row = jax.lax.broadcasted_iota(jnp.int32, fx.shape, 0)
    y = row % _SP
    x = (row // _SP) % _SP
    upx = jnp.concatenate([fx[_SP:], fx[-_SP:]], axis=0)
    dnx = jnp.concatenate([fx[:_SP], fx[:-_SP]], axis=0)
    gx = (upx - dnx) / (2.0 * h)
    gx = jnp.where(x == 0, (upx - fx) / h, gx)
    gx = jnp.where(x == _SP - 1, (fx - dnx) / h, gx)
    upy = jnp.concatenate([fy[1:], fy[-1:]], axis=0)
    dny = jnp.concatenate([fy[:1], fy[:-1]], axis=0)
    gy = (upy - dny) / (2.0 * h)
    gy = jnp.where(y == 0, (upy - fy) / h, gy)
    gy = jnp.where(y == _SP - 1, (fy - dny) / h, gy)
    zc = (fz[:, 2:] - fz[:, :-2]) / (2.0 * h)
    z0 = (fz[:, 1:2] - fz[:, 0:1]) / h
    z1 = (fz[:, -1:] - fz[:, -2:-1]) / h
    gz = jnp.concatenate([z0, zc, z1], axis=1)
    div = gx + gy + gz
    out_ref[...] = jnp.broadcast_to(jnp.mean(jnp.abs(div)), (1, 1))


def kernel(flow, coords, grid_coords):
    B, N, _ = coords.shape
    M = grid_coords.shape[1]
    gct_all = jnp.transpose(grid_coords, (0, 2, 1))
    nt = M // _TM
    idx, w = pl.pallas_call(
        _knn_select_kernel,
        grid=(B, nt),
        in_specs=[
            pl.BlockSpec((1, N, 3), lambda b, i: (b, 0, 0)),
            pl.BlockSpec((1, 3, _TM), lambda b, i: (b, 0, i)),
        ],
        out_specs=[
            pl.BlockSpec((1, _NB, _TM), lambda b, i: (b, 0, i)),
            pl.BlockSpec((1, _NB, _TM), lambda b, i: (b, 0, i)),
        ],
        out_shape=[
            jax.ShapeDtypeStruct((B, _NB, M), jnp.int32),
            jax.ShapeDtypeStruct((B, _NB, M), jnp.float32),
        ],
    )(coords, gct_all)
    idx_t = idx.reshape(-1)
    w_t = w.reshape(-1)
    flow_flat = jnp.transpose(flow, (0, 2, 1)).reshape(-1)

    mesh = plsc.VectorSubcoreMesh(core_axis_name="c", subcore_axis_name="s")
    chunk = (B * M) // _NW
    sc = functools.partial(
        pl.kernel, mesh=mesh,
        compiler_params=pltpu.CompilerParams(needs_layout_passes=False),
        out_type=jax.ShapeDtypeStruct((3 * B * M,), jnp.float32),
        scratch_types=[
            pltpu.VMEM((_NB * chunk,), jnp.int32),
            pltpu.VMEM((_NB * chunk,), jnp.float32),
            pltpu.VMEM((3 * N,), jnp.float32),
            pltpu.VMEM((3 * chunk,), jnp.float32),
        ],
    )(_sc_combine)
    gf_t = sc(idx_t, w_t, flow_flat).reshape(3, B * M)

    fx = gf_t[0].reshape(B * _SP * _SP, _SP)
    fy = gf_t[1].reshape(B * _SP * _SP, _SP)
    fz = gf_t[2].reshape(B * _SP * _SP, _SP)
    out = pl.pallas_call(
        _div_kernel,
        out_shape=jax.ShapeDtypeStruct((1, 1), jnp.float32),
    )(fx, fy, fz)
    return out[0, 0]

# --- scband reference (transcript-rebuilt; emitter-appended) ---
"""Pipeline reference for scband-lattice-18794776887559 (READ-ONLY COPY).

The authoritative reference and input builder live on the scoring server;
editing this copy changes nothing except your own understanding.
"""

import jax, jax.numpy as jnp
import numpy as np

NB = 8
SPACING = 24
BATCH = 2
N_PTS = 2048


def _grad1d(f, h, axis):
    # torch.gradient (edge_order=1): central differences interior, one-sided at edges
    f = jnp.moveaxis(f, axis, 0)
    interior = (f[2:] - f[:-2]) / (2.0 * h)
    first = (f[1:2] - f[0:1]) / h
    last = (f[-1:] - f[-2:-1]) / h
    g = jnp.concatenate([first, interior, last], axis=0)
    return jnp.moveaxis(g, 0, axis)


def setup_inputs(seed: int = 0) -> dict:
    key = jax.random.key(seed)
    k1, k2 = jax.random.split(key)
    flow = jax.random.normal(k1, (BATCH, N_PTS, 3), dtype=jnp.float32)
    coords = jax.random.uniform(k2, (BATCH, N_PTS, 3), dtype=jnp.float32)
    lin = jnp.linspace(0.0, 2.0 * np.pi, SPACING)
    xx, yy, zz = jnp.meshgrid(lin, lin, lin, indexing='ij')
    grid = jnp.stack([xx, yy, zz], axis=-1).reshape(-1, 3)
    grid_coords = jnp.broadcast_to(grid[None], (BATCH, SPACING ** 3, 3)).astype(jnp.float32)
    return {"flow": flow, "coords": coords, "grid_coords": grid_coords}


def reference(flow, coords, grid_coords):
    power = 2
    outs = []
    for b in range(flow.shape[0]):
        pc = coords[b]          # (n, 3) reference points
        val = flow[b]           # (n, 3) values
        gc = grid_coords[b]     # (m, 3) queries
        # brute-force kNN: squared euclidean distances (m, n)
        d2 = (jnp.sum(gc * gc, axis=-1)[:, None]
              + jnp.sum(pc * pc, axis=-1)[None, :]
              - 2.0 * gc @ pc.T)
        neg_d2, idx = jax.lax.top_k(-d2, NB)          # k smallest, sorted ascending
        dist = jnp.sqrt(jnp.maximum(-neg_d2, 0.0))    # (m, k) euclidean distances
        knn_vals = jnp.take(val, idx, axis=0)         # (m, k, 3) gather
        w = jnp.power(dist + 1e-08, -float(power))
        w = w / jnp.sum(w, axis=-1, keepdims=True)
        outs.append(jnp.sum(w[..., None] * knn_vals, axis=1))  # (m, 3)
    grid_flows = jnp.stack(outs, axis=0).reshape(-1, SPACING, SPACING, SPACING, 3)
    h = 2.0 * np.pi / SPACING
    dFx_dx = _grad1d(grid_flows[..., 0], h, 1)
    dFy_dy = _grad1d(grid_flows[..., 1], h, 2)
    dFz_dz = _grad1d(grid_flows[..., 2], h, 3)
    div_pp = (dFx_dx + dFy_dy + dFz_dz).reshape(-1, SPACING ** 3)
    return jnp.mean(jnp.mean(jnp.abs(div_pp), axis=-1), axis=-1)

if __name__ == "__main__":
    import jax
    _d = setup_inputs()
    print(jax.jit(kernel)(*tuple(_d.values())))

</pallas_src>

<mosaic_0001>
#map = affine_map<(d0, d1) -> (0)>
module attributes {stable_mosaic.version = 14 : i64} {
  func.func @_sc_combine(%arg0: i32, %arg1: i32, %arg2: memref<221184xi32, #tpu.memory_space<hbm>>, %arg3: memref<221184xf32, #tpu.memory_space<hbm>>, %arg4: memref<12288xf32, #tpu.memory_space<hbm>>, %arg5: memref<82944xf32, #tpu.memory_space<hbm>>, %arg6: memref<6912xi32, #tpu.memory_space<vmem>>, %arg7: memref<6912xf32, #tpu.memory_space<vmem>>, %arg8: memref<6144xf32, #tpu.memory_space<vmem>>, %arg9: memref<2592xf32, #tpu.memory_space<vmem>>) attributes {dimension_semantics = [#tpu.dimension_semantics<core_parallel>, #tpu.dimension_semantics<subcore_parallel>], iteration_bounds = array<i64: 2, 16>, scalar_prefetch = 0 : i64, scratch_operands = 4 : i64, tpu.core_type = #tpu.core_type<sc_vector_subcore>, window_params = [{transform_indices = #map}, {transform_indices = #map}, {transform_indices = #map}, {transform_indices = #map}]} {
    %mul3A = arith.constant 2 : i32
    %mul3A_0 = arith.muli %arg1, %mul3A : i32
    %add3A = arith.addi %mul3A_0, %arg0 : i32
    %mul3A_1 = arith.constant 864 : i32
    %mul3A_2 = arith.muli %add3A, %mul3A_1 : i32
    %jit3A = arith.constant 13824 : i32
    %div3A = arith.divsi %mul3A_2, %jit3A : i32
    %sign3A = arith.constant 0 : i32
    %sign3A_3 = arith.cmpi sgt, %mul3A_2, %sign3A : i32
    %sign3A_4 = arith.extui %sign3A_3 : i1 to i32
    %sign3A_5 = arith.constant 0 : i32
    %sign3A_6 = arith.cmpi slt, %mul3A_2, %sign3A_5 : i32
    %sign3A_7 = arith.extui %sign3A_6 : i1 to i32
    %sign3A_8 = arith.subi %sign3A_4, %sign3A_7 : i32
    %sign3A_9 = arith.constant 0 : i32
    %sign3A_10 = arith.cmpi sgt, %jit3A, %sign3A_9 : i32
    %sign3A_11 = arith.extui %sign3A_10 : i1 to i32
    %sign3A_12 = arith.constant 0 : i32
    %sign3A_13 = arith.cmpi slt, %jit3A, %sign3A_12 : i32
    %sign3A_14 = arith.extui %sign3A_13 : i1 to i32
    %sign3A_15 = arith.subi %sign3A_11, %sign3A_14 : i32
    %ne3A = arith.cmpi ne, %sign3A_8, %sign3A_15 : i32
    %rem3A = arith.remsi %mul3A_2, %jit3A : i32
    %ne3A_16 = arith.constant 0 : i32
    %ne3A_17 = arith.cmpi ne, %rem3A, %ne3A_16 : i32
    %and3A = arith.andi %ne3A, %ne3A_17 : i1
    %sub3A = arith.constant 1 : i32
    %sub3A_18 = arith.subi %div3A, %sub3A : i32
    %select_n3A = arith.select %and3A, %sub3A_18, %div3A : i32
    %mul3A_19 = arith.constant 13824 : i32
    %mul3A_20 = arith.muli %select_n3A, %mul3A_19 : i32
    %sub3A_21 = arith.subi %mul3A_2, %mul3A_20 : i32
    %mul3A_22 = arith.constant 3 : i32
    %mul3A_23 = arith.muli %select_n3A, %mul3A_22 : i32
    %mul3A_24 = arith.constant 2048 : i32
    %mul3A_25 = arith.muli %mul3A_23, %mul3A_24 : i32
    "tpu.region"() ({
      %run_scoped3A = tpu.sem_alloc : memref<!tpu.dma_semaphore, #tpu.memory_space<semaphore_mem>>
      %dma_start3A = tpu.memref_slice %arg4[%mul3A_25] : memref<12288xf32, #tpu.memory_space<hbm>> -> memref<6144xf32, #tpu.memory_space<hbm>>
      %dma_start3A_93 = tpu.memref_slice %arg4[%mul3A_25] : memref<12288xf32, #tpu.memory_space<hbm>> -> memref<6144xf32, #tpu.memory_space<hbm>>
      tpu.enqueue_dma source(%dma_start3A_93 : memref<6144xf32, #tpu.memory_space<hbm>>) target(%arg8 : memref<6144xf32, #tpu.memory_space<vmem>>) target_semaphore(%run_scoped3A : memref<!tpu.dma_semaphore, #tpu.memory_space<semaphore_mem>>)
      %dma_wait3A = tpu.memref_slice %arg4[%mul3A_25] : memref<12288xf32, #tpu.memory_space<hbm>> -> memref<6144xf32, #tpu.memory_space<hbm>>
      %dma_wait3A_94 = tpu.memref_slice %arg4[%mul3A_25] : memref<12288xf32, #tpu.memory_space<hbm>> -> memref<6144xf32, #tpu.memory_space<hbm>>
      tpu.wait_dma2 semaphore(%run_scoped3A : memref<!tpu.dma_semaphore, #tpu.memory_space<semaphore_mem>>) src(%dma_wait3A_94 : memref<6144xf32, #tpu.memory_space<hbm>>) dst(%arg8 : memref<6144xf32, #tpu.memory_space<vmem>>)
      tpu.yield
    }) : () -> ()
    %mul3A_26 = arith.constant 8 : i32
    %mul3A_27 = arith.muli %select_n3A, %mul3A_26 : i32
    %add3A_28 = arith.constant 0 : i32
    %add3A_29 = arith.addi %mul3A_27, %add3A_28 : i32
    %mul3A_30 = arith.constant 13824 : i32
    %mul3A_31 = arith.muli %add3A_29, %mul3A_30 : i32
    %add3A_32 = arith.addi %mul3A_31, %sub3A_21 : i32
    "tpu.region"() ({
      %run_scoped3A = tpu.sem_alloc : memref<!tpu.dma_semaphore, #tpu.memory_space<semaphore_mem>>
      %dma_start3A = arith.constant 0 : i32
      %dma_start3A_93 = tpu.memref_slice %arg6[%dma_start3A] : memref<6912xi32, #tpu.memory_space<vmem>> -> memref<864xi32, #tpu.memory_space<vmem>>
      %dma_start3A_94 = tpu.memref_slice %arg2[%add3A_32] : memref<221184xi32, #tpu.memory_space<hbm>> -> memref<864xi32, #tpu.memory_space<hbm>>
      %dma_start3A_95 = arith.constant 0 : i32
      %dma_start3A_96 = tpu.memref_slice %arg6[%dma_start3A_95] : memref<6912xi32, #tpu.memory_space<vmem>> -> memref<864xi32, #tpu.memory_space<vmem>>
      %dma_start3A_97 = tpu.memref_slice %arg2[%add3A_32] : memref<221184xi32, #tpu.memory_space<hbm>> -> memref<864xi32, #tpu.memory_space<hbm>>
      tpu.enqueue_dma source(%dma_start3A_97 : memref<864xi32, #tpu.memory_space<hbm>>) target(%dma_start3A_96 : memref<864xi32, #tpu.memory_space<vmem>>) target_semaphore(%run_scoped3A : memref<!tpu.dma_semaphore, #tpu.memory_space<semaphore_mem>>)
      %dma_wait3A = arith.constant 0 : i32
      %dma_wait3A_98 = tpu.memref_slice %arg6[%dma_wait3A] : memref<6912xi32, #tpu.memory_space<vmem>> -> memref<864xi32, #tpu.memory_space<vmem>>
      %dma_wait3A_99 = tpu.memref_slice %arg2[%add3A_32] : memref<221184xi32, #tpu.memory_space<hbm>> -> memref<864xi32, #tpu.memory_space<hbm>>
      %dma_wait3A_100 = arith.constant 0 : i32
      %dma_wait3A_101 = tpu.memref_slice %arg6[%dma_wait3A_100] : memref<6912xi32, #tpu.memory_space<vmem>> -> memref<864xi32, #tpu.memory_space<vmem>>
      %dma_wait3A_102 = tpu.memref_slice %arg2[%add3A_32] : memref<221184xi32, #tpu.memory_space<hbm>> -> memref<864xi32, #tpu.memory_space<hbm>>
      tpu.wait_dma2 semaphore(%run_scoped3A : memref<!tpu.dma_semaphore, #tpu.memory_space<semaphore_mem>>) src(%dma_wait3A_102 : memref<864xi32, #tpu.memory_space<hbm>>) dst(%dma_wait3A_101 : memref<864xi32, #tpu.memory_space<vmem>>)
      tpu.yield
    }) : () -> ()
    "tpu.region"() ({
      %run_scoped3A = tpu.sem_alloc : memref<!tpu.dma_semaphore, #tpu.memory_space<semaphore_mem>>
      %dma_start3A = arith.constant 0 : i32
      %dma_start3A_93 = tpu.memref_slice %arg7[%dma_start3A] : memref<6912xf32, #tpu.memory_space<vmem>> -> memref<864xf32, #tpu.memory_space<vmem>>
      %dma_start3A_94 = tpu.memref_slice %arg3[%add3A_32] : memref<221184xf32, #tpu.memory_space<hbm>> -> memref<864xf32, #tpu.memory_space<hbm>>
      %dma_start3A_95 = arith.constant 0 : i32
      %dma_start3A_96 = tpu.memref_slice %arg7[%dma_start3A_95] : memref<6912xf32, #tpu.memory_space<vmem>> -> memref<864xf32, #tpu.memory_space<vmem>>
      %dma_start3A_97 = tpu.memref_slice %arg3[%add3A_32] : memref<221184xf32, #tpu.memory_space<hbm>> -> memref<864xf32, #tpu.memory_space<hbm>>
      tpu.enqueue_dma source(%dma_start3A_97 : memref<864xf32, #tpu.memory_space<hbm>>) target(%dma_start3A_96 : memref<864xf32, #tpu.memory_space<vmem>>) target_semaphore(%run_scoped3A : memref<!tpu.dma_semaphore, #tpu.memory_space<semaphore_mem>>)
      %dma_wait3A = arith.constant 0 : i32
      %dma_wait3A_98 = tpu.memref_slice %arg7[%dma_wait3A] : memref<6912xf32, #tpu.memory_space<vmem>> -> memref<864xf32, #tpu.memory_space<vmem>>
      %dma_wait3A_99 = tpu.memref_slice %arg3[%add3A_32] : memref<221184xf32, #tpu.memory_space<hbm>> -> memref<864xf32, #tpu.memory_space<hbm>>
      %dma_wait3A_100 = arith.constant 0 : i32
      %dma_wait3A_101 = tpu.memref_slice %arg7[%dma_wait3A_100] : memref<6912xf32, #tpu.memory_space<vmem>> -> memref<864xf32, #tpu.memory_space<vmem>>
      %dma_wait3A_102 = tpu.memref_slice %arg3[%add3A_32] : memref<221184xf32, #tpu.memory_space<hbm>> -> memref<864xf32, #tpu.memory_space<hbm>>
      tpu.wait_dma2 semaphore(%run_scoped3A : memref<!tpu.dma_semaphore, #tpu.memory_space<semaphore_mem>>) src(%dma_wait3A_102 : memref<864xf32, #tpu.memory_space<hbm>>) dst(%dma_wait3A_101 : memref<864xf32, #tpu.memory_space<vmem>>)
      tpu.yield
    }) : () -> ()
    %mul3A_33 = arith.constant 8 : i32
    %mul3A_34 = arith.muli %select_n3A, %mul3A_33 : i32
    %add3A_35 = arith.constant 1 : i32
    %add3A_36 = arith.addi %mul3A_34, %add3A_35 : i32
    %mul3A_37 = arith.constant 13824 : i32
    %mul3A_38 = arith.muli %add3A_36, %mul3A_37 : i32
    %add3A_39 = arith.addi %mul3A_38, %sub3A_21 : i32
    "tpu.region"() ({
      %run_scoped3A = tpu.sem_alloc : memref<!tpu.dma_semaphore, #tpu.memory_space<semaphore_mem>>
      %dma_start3A = arith.constant 864 : i32
      %dma_start3A_93 = tpu.memref_slice %arg6[%dma_start3A] : memref<6912xi32, #tpu.memory_space<vmem>> -> memref<864xi32, #tpu.memory_space<vmem>>
      %dma_start3A_94 = tpu.memref_slice %arg2[%add3A_39] : memref<221184xi32, #tpu.memory_space<hbm>> -> memref<864xi32, #tpu.memory_space<hbm>>
      %dma_start3A_95 = arith.constant 864 : i32
      %dma_start3A_96 = tpu.memref_slice %arg6[%dma_start3A_95] : memref<6912xi32, #tpu.memory_space<vmem>> -> memref<864xi32, #tpu.memory_space<vmem>>
      %dma_start3A_97 = tpu.memref_slice %arg2[%add3A_39] : memref<221184xi32, #tpu.memory_space<hbm>> -> memref<864xi32, #tpu.memory_space<hbm>>
      tpu.enqueue_dma source(%dma_start3A_97 : memref<864xi32, #tpu.memory_space<hbm>>) target(%dma_start3A_96 : memref<864xi32, #tpu.memory_space<vmem>>) target_semaphore(%run_scoped3A : memref<!tpu.dma_semaphore, #tpu.memory_space<semaphore_mem>>)
      %dma_wait3A = arith.constant 864 : i32
      %dma_wait3A_98 = tpu.memref_slice %arg6[%dma_wait3A] : memref<6912xi32, #tpu.memory_space<vmem>> -> memref<864xi32, #tpu.memory_space<vmem>>
      %dma_wait3A_99 = tpu.memref_slice %arg2[%add3A_39] : memref<221184xi32, #tpu.memory_space<hbm>> -> memref<864xi32, #tpu.memory_space<hbm>>
      %dma_wait3A_100 = arith.constant 864 : i32
      %dma_wait3A_101 = tpu.memref_slice %arg6[%dma_wait3A_100] : memref<6912xi32, #tpu.memory_space<vmem>> -> memref<864xi32, #tpu.memory_space<vmem>>
      %dma_wait3A_102 = tpu.memref_slice %arg2[%add3A_39] : memref<221184xi32, #tpu.memory_space<hbm>> -> memref<864xi32, #tpu.memory_space<hbm>>
      tpu.wait_dma2 semaphore(%run_scoped3A : memref<!tpu.dma_semaphore, #tpu.memory_space<semaphore_mem>>) src(%dma_wait3A_102 : memref<864xi32, #tpu.memory_space<hbm>>) dst(%dma_wait3A_101 : memref<864xi32, #tpu.memory_space<vmem>>)
      tpu.yield
    }) : () -> ()
    "tpu.region"() ({
      %run_scoped3A = tpu.sem_alloc : memref<!tpu.dma_semaphore, #tpu.memory_space<semaphore_mem>>
      %dma_start3A = arith.constant 864 : i32
      %dma_start3A_93 = tpu.memref_slice %arg7[%dma_start3A] : memref<6912xf32, #tpu.memory_space<vmem>> -> memref<864xf32, #tpu.memory_space<vmem>>
      %dma_start3A_94 = tpu.memref_slice %arg3[%add3A_39] : memref<221184xf32, #tpu.memory_space<hbm>> -> memref<864xf32, #tpu.memory_space<hbm>>
      %dma_start3A_95 = arith.constant 864 : i32
      %dma_start3A_96 = tpu.memref_slice %arg7[%dma_start3A_95] : memref<6912xf32, #tpu.memory_space<vmem>> -> memref<864xf32, #tpu.memory_space<vmem>>
      %dma_start3A_97 = tpu.memref_slice %arg3[%add3A_39] : memref<221184xf32, #tpu.memory_space<hbm>> -> memref<864xf32, #tpu.memory_space<hbm>>
      tpu.enqueue_dma source(%dma_start3A_97 : memref<864xf32, #tpu.memory_space<hbm>>) target(%dma_start3A_96 : memref<864xf32, #tpu.memory_space<vmem>>) target_semaphore(%run_scoped3A : memref<!tpu.dma_semaphore, #tpu.memory_space<semaphore_mem>>)
      %dma_wait3A = arith.constant 864 : i32
      %dma_wait3A_98 = tpu.memref_slice %arg7[%dma_wait3A] : memref<6912xf32, #tpu.memory_space<vmem>> -> memref<864xf32, #tpu.memory_space<vmem>>
      %dma_wait3A_99 = tpu.memref_slice %arg3[%add3A_39] : memref<221184xf32, #tpu.memory_space<hbm>> -> memref<864xf32, #tpu.memory_space<hbm>>
      %dma_wait3A_100 = arith.constant 864 : i32
      %dma_wait3A_101 = tpu.memref_slice %arg7[%dma_wait3A_100] : memref<6912xf32, #tpu.memory_space<vmem>> -> memref<864xf32, #tpu.memory_space<vmem>>
      %dma_wait3A_102 = tpu.memref_slice %arg3[%add3A_39] : memref<221184xf32, #tpu.memory_space<hbm>> -> memref<864xf32, #tpu.memory_space<hbm>>
      tpu.wait_dma2 semaphore(%run_scoped3A : memref<!tpu.dma_semaphore, #tpu.memory_space<semaphore_mem>>) src(%dma_wait3A_102 : memref<864xf32, #tpu.memory_space<hbm>>) dst(%dma_wait3A_101 : memref<864xf32, #tpu.memory_space<vmem>>)
      tpu.yield
    }) : () -> ()
    %mul3A_40 = arith.constant 8 : i32
    %mul3A_41 = arith.muli %select_n3A, %mul3A_40 : i32
    %add3A_42 = arith.constant 2 : i32
    %add3A_43 = arith.addi %mul3A_41, %add3A_42 : i32
    %mul3A_44 = arith.constant 13824 : i32
    %mul3A_45 = arith.muli %add3A_43, %mul3A_44 : i32
    %add3A_46 = arith.addi %mul3A_45, %sub3A_21 : i32
    "tpu.region"() ({
      %run_scoped3A = tpu.sem_alloc : memref<!tpu.dma_semaphore, #tpu.memory_space<semaphore_mem>>
      %dma_start3A = arith.constant 1728 : i32
      %dma_start3A_93 = tpu.memref_slice %arg6[%dma_start3A] : memref<6912xi32, #tpu.memory_space<vmem>> -> memref<864xi32, #tpu.memory_space<vmem>>
      %dma_start3A_94 = tpu.memref_slice %arg2[%add3A_46] : memref<221184xi32, #tpu.memory_space<hbm>> -> memref<864xi32, #tpu.memory_space<hbm>>
      %dma_start3A_95 = arith.constant 1728 : i32
      %dma_start3A_96 = tpu.memref_slice %arg6[%dma_start3A_95] : memref<6912xi32, #tpu.memory_space<vmem>> -> memref<864xi32, #tpu.memory_space<vmem>>
      %dma_start3A_97 = tpu.memref_slice %arg2[%add3A_46] : memref<221184xi32, #tpu.memory_space<hbm>> -> memref<864xi32, #tpu.memory_space<hbm>>
      tpu.enqueue_dma source(%dma_start3A_97 : memref<864xi32, #tpu.memory_space<hbm>>) target(%dma_start3A_96 : memref<864xi32, #tpu.memory_space<vmem>>) target_semaphore(%run_scoped3A : memref<!tpu.dma_semaphore, #tpu.memory_space<semaphore_mem>>)
      %dma_wait3A = arith.constant 1728 : i32
      %dma_wait3A_98 = tpu.memref_slice %arg6[%dma_wait3A] : memref<6912xi32, #tpu.memory_space<vmem>> -> memref<864xi32, #tpu.memory_space<vmem>>
      %dma_wait3A_99 = tpu.memref_slice %arg2[%add3A_46] : memref<221184xi32, #tpu.memory_space<hbm>> -> memref<864xi32, #tpu.memory_space<hbm>>
      %dma_wait3A_100 = arith.constant 1728 : i32
      %dma_wait3A_101 = tpu.memref_slice %arg6[%dma_wait3A_100] : memref<6912xi32, #tpu.memory_space<vmem>> -> memref<864xi32, #tpu.memory_space<vmem>>
      %dma_wait3A_102 = tpu.memref_slice %arg2[%add3A_46] : memref<221184xi32, #tpu.memory_space<hbm>> -> memref<864xi32, #tpu.memory_space<hbm>>
      tpu.wait_dma2 semaphore(%run_scoped3A : memref<!tpu.dma_semaphore, #tpu.memory_space<semaphore_mem>>) src(%dma_wait3A_102 : memref<864xi32, #tpu.memory_space<hbm>>) dst(%dma_wait3A_101 : memref<864xi32, #tpu.memory_space<vmem>>)
      tpu.yield
    }) : () -> ()
    "tpu.region"() ({
      %run_scoped3A = tpu.sem_alloc : memref<!tpu.dma_semaphore, #tpu.memory_space<semaphore_mem>>
      %dma_start3A = arith.constant 1728 : i32
      %dma_start3A_93 = tpu.memref_slice %arg7[%dma_start3A] : memref<6912xf32, #tpu.memory_space<vmem>> -> memref<864xf32, #tpu.memory_space<vmem>>
      %dma_start3A_94 = tpu.memref_slice %arg3[%add3A_46] : memref<221184xf32, #tpu.memory_space<hbm>> -> memref<864xf32, #tpu.memory_space<hbm>>
      %dma_start3A_95 = arith.constant 1728 : i32
      %dma_start3A_96 = tpu.memref_slice %arg7[%dma_start3A_95] : memref<6912xf32, #tpu.memory_space<vmem>> -> memref<864xf32, #tpu.memory_space<vmem>>
      %dma_start3A_97 = tpu.memref_slice %arg3[%add3A_46] : memref<221184xf32, #tpu.memory_space<hbm>> -> memref<864xf32, #tpu.memory_space<hbm>>
      tpu.enqueue_dma source(%dma_start3A_97 : memref<864xf32, #tpu.memory_space<hbm>>) target(%dma_start3A_96 : memref<864xf32, #tpu.memory_space<vmem>>) target_semaphore(%run_scoped3A : memref<!tpu.dma_semaphore, #tpu.memory_space<semaphore_mem>>)
      %dma_wait3A = arith.constant 1728 : i32
      %dma_wait3A_98 = tpu.memref_slice %arg7[%dma_wait3A] : memref<6912xf32, #tpu.memory_space<vmem>> -> memref<864xf32, #tpu.memory_space<vmem>>
      %dma_wait3A_99 = tpu.memref_slice %arg3[%add3A_46] : memref<221184xf32, #tpu.memory_space<hbm>> -> memref<864xf32, #tpu.memory_space<hbm>>
      %dma_wait3A_100 = arith.constant 1728 : i32
      %dma_wait3A_101 = tpu.memref_slice %arg7[%dma_wait3A_100] : memref<6912xf32, #tpu.memory_space<vmem>> -> memref<864xf32, #tpu.memory_space<vmem>>
      %dma_wait3A_102 = tpu.memref_slice %arg3[%add3A_46] : memref<221184xf32, #tpu.memory_space<hbm>> -> memref<864xf32, #tpu.memory_space<hbm>>
      tpu.wait_dma2 semaphore(%run_scoped3A : memref<!tpu.dma_semaphore, #tpu.memory_space<semaphore_mem>>) src(%dma_wait3A_102 : memref<864xf32, #tpu.memory_space<hbm>>) dst(%dma_wait3A_101 : memref<864xf32, #tpu.memory_space<vmem>>)
      tpu.yield
    }) : () -> ()
    %mul3A_47 = arith.constant 8 : i32
    %mul3A_48 = arith.muli %select_n3A, %mul3A_47 : i32
    %add3A_49 = arith.constant 3 : i32
    %add3A_50 = arith.addi %mul3A_48, %add3A_49 : i32
    %mul3A_51 = arith.constant 13824 : i32
    %mul3A_52 = arith.muli %add3A_50, %mul3A_51 : i32
    %add3A_53 = arith.addi %mul3A_52, %sub3A_21 : i32
    "tpu.region"() ({
      %run_scoped3A = tpu.sem_alloc : memref<!tpu.dma_semaphore, #tpu.memory_space<semaphore_mem>>
      %dma_start3A = arith.constant 2592 : i32
      %dma_start3A_93 = tpu.memref_slice %arg6[%dma_start3A] : memref<6912xi32, #tpu.memory_space<vmem>> -> memref<864xi32, #tpu.memory_space<vmem>>
      %dma_start3A_94 = tpu.memref_slice %arg2[%add3A_53] : memref<221184xi32, #tpu.memory_space<hbm>> -> memref<864xi32, #tpu.memory_space<hbm>>
      %dma_start3A_95 = arith.constant 2592 : i32
      %dma_start3A_96 = tpu.memref_slice %arg6[%dma_start3A_95] : memref<6912xi32, #tpu.memory_space<vmem>> -> memref<864xi32, #tpu.memory_space<vmem>>
      %dma_start3A_97 = tpu.memref_slice %arg2[%add3A_53] : memref<221184xi32, #tpu.memory_space<hbm>> -> memref<864xi32, #tpu.memory_space<hbm>>
      tpu.enqueue_dma source(%dma_start3A_97 : memref<864xi32, #tpu.memory_space<hbm>>) target(%dma_start3A_96 : memref<864xi32, #tpu.memory_space<vmem>>) target_semaphore(%run_scoped3A : memref<!tpu.dma_semaphore, #tpu.memory_space<semaphore_mem>>)
      %dma_wait3A = arith.constant 2592 : i32
      %dma_wait3A_98 = tpu.memref_slice %arg6[%dma_wait3A] : memref<6912xi32, #tpu.memory_space<vmem>> -> memref<864xi32, #tpu.memory_space<vmem>>
      %dma_wait3A_99 = tpu.memref_slice %arg2[%add3A_53] : memref<221184xi32, #tpu.memory_space<hbm>> -> memref<864xi32, #tpu.memory_space<hbm>>
      %dma_wait3A_100 = arith.constant 2592 : i32
      %dma_wait3A_101 = tpu.memref_slice %arg6[%dma_wait3A_100] : memref<6912xi32, #tpu.memory_space<vmem>> -> memref<864xi32, #tpu.memory_space<vmem>>
      %dma_wait3A_102 = tpu.memref_slice %arg2[%add3A_53] : memref<221184xi32, #tpu.memory_space<hbm>> -> memref<864xi32, #tpu.memory_space<hbm>>
      tpu.wait_dma2 semaphore(%run_scoped3A : memref<!tpu.dma_semaphore, #tpu.memory_space<semaphore_mem>>) src(%dma_wait3A_102 : memref<864xi32, #tpu.memory_space<hbm>>) dst(%dma_wait3A_101 : memref<864xi32, #tpu.memory_space<vmem>>)
      tpu.yield
    }) : () -> ()
    "tpu.region"() ({
      %run_scoped3A = tpu.sem_alloc : memref<!tpu.dma_semaphore, #tpu.memory_space<semaphore_mem>>
      %dma_start3A = arith.constant 2592 : i32
      %dma_start3A_93 = tpu.memref_slice %arg7[%dma_start3A] : memref<6912xf32, #tpu.memory_space<vmem>> -> memref<864xf32, #tpu.memory_space<vmem>>
      %dma_start3A_94 = tpu.memref_slice %arg3[%add3A_53] : memref<221184xf32, #tpu.memory_space<hbm>> -> memref<864xf32, #tpu.memory_space<hbm>>
      %dma_start3A_95 = arith.constant 2592 : i32
      %dma_start3A_96 = tpu.memref_slice %arg7[%dma_start3A_95] : memref<6912xf32, #tpu.memory_space<vmem>> -> memref<864xf32, #tpu.memory_space<vmem>>
      %dma_start3A_97 = tpu.memref_slice %arg3[%add3A_53] : memref<221184xf32, #tpu.memory_space<hbm>> -> memref<864xf32, #tpu.memory_space<hbm>>
      tpu.enqueue_dma source(%dma_start3A_97 : memref<864xf32, #tpu.memory_space<hbm>>) target(%dma_start3A_96 : memref<864xf32, #tpu.memory_space<vmem>>) target_semaphore(%run_scoped3A : memref<!tpu.dma_semaphore, #tpu.memory_space<semaphore_mem>>)
      %dma_wait3A = arith.constant 2592 : i32
      %dma_wait3A_98 = tpu.memref_slice %arg7[%dma_wait3A] : memref<6912xf32, #tpu.memory_space<vmem>> -> memref<864xf32, #tpu.memory_space<vmem>>
      %dma_wait3A_99 = tpu.memref_slice %arg3[%add3A_53] : memref<221184xf32, #tpu.memory_space<hbm>> -> memref<864xf32, #tpu.memory_space<hbm>>
      %dma_wait3A_100 = arith.constant 2592 : i32
      %dma_wait3A_101 = tpu.memref_slice %arg7[%dma_wait3A_100] : memref<6912xf32, #tpu.memory_space<vmem>> -> memref<864xf32, #tpu.memory_space<vmem>>
      %dma_wait3A_102 = tpu.memref_slice %arg3[%add3A_53] : memref<221184xf32, #tpu.memory_space<hbm>> -> memref<864xf32, #tpu.memory_space<hbm>>
      tpu.wait_dma2 semaphore(%run_scoped3A : memref<!tpu.dma_semaphore, #tpu.memory_space<semaphore_mem>>) src(%dma_wait3A_102 : memref<864xf32, #tpu.memory_space<hbm>>) dst(%dma_wait3A_101 : memref<864xf32, #tpu.memory_space<vmem>>)
      tpu.yield
    }) : () -> ()
    %mul3A_54 = arith.constant 8 : i32
    %mul3A_55 = arith.muli %select_n3A, %mul3A_54 : i32
    %add3A_56 = arith.constant 4 : i32
    %add3A_57 = arith.addi %mul3A_55, %add3A_56 : i32
    %mul3A_58 = arith.constant 13824 : i32
    %mul3A_59 = arith.muli %add3A_57, %mul3A_58 : i32
    %add3A_60 = arith.addi %mul3A_59, %sub3A_21 : i32
    "tpu.region"() ({
      %run_scoped3A = tpu.sem_alloc : memref<!tpu.dma_semaphore, #tpu.memory_space<semaphore_mem>>
      %dma_start3A = arith.constant 3456 : i32
      %dma_start3A_93 = tpu.memref_slice %arg6[%dma_start3A] : memref<6912xi32, #tpu.memory_space<vmem>> -> memref<864xi32, #tpu.memory_space<vmem>>
      %dma_start3A_94 = tpu.memref_slice %arg2[%add3A_60] : memref<221184xi32, #tpu.memory_space<hbm>> -> memref<864xi32, #tpu.memory_space<hbm>>
      %dma_start3A_95 = arith.constant 3456 : i32
      %dma_start3A_96 = tpu.memref_slice %arg6[%dma_start3A_95] : memref<6912xi32, #tpu.memory_space<vmem>> -> memref<864xi32, #tpu.memory_space<vmem>>
      %dma_start3A_97 = tpu.memref_slice %arg2[%add3A_60] : memref<221184xi32, #tpu.memory_space<hbm>> -> memref<864xi32, #tpu.memory_space<hbm>>
      tpu.enqueue_dma source(%dma_start3A_97 : memref<864xi32, #tpu.memory_space<hbm>>) target(%dma_start3A_96 : memref<864xi32, #tpu.memory_space<vmem>>) target_semaphore(%run_scoped3A : memref<!tpu.dma_semaphore, #tpu.memory_space<semaphore_mem>>)
      %dma_wait3A = arith.constant 3456 : i32
      %dma_wait3A_98 = tpu.memref_slice %arg6[%dma_wait3A] : memref<6912xi32, #tpu.memory_space<vmem>> -> memref<864xi32, #tpu.memory_space<vmem>>
      %dma_wait3A_99 = tpu.memref_slice %arg2[%add3A_60] : memref<221184xi32, #tpu.memory_space<hbm>> -> memref<864xi32, #tpu.memory_space<hbm>>
      %dma_wait3A_100 = arith.constant 3456 : i32
      %dma_wait3A_101 = tpu.memref_slice %arg6[%dma_wait3A_100] : memref<6912xi32, #tpu.memory_space<vmem>> -> memref<864xi32, #tpu.memory_space<vmem>>
      %dma_wait3A_102 = tpu.memref_slice %arg2[%add3A_60] : memref<221184xi32, #tpu.memory_space<hbm>> -> memref<864xi32, #tpu.memory_space<hbm>>
      tpu.wait_dma2 semaphore(%run_scoped3A : memref<!tpu.dma_semaphore, #tpu.memory_space<semaphore_mem>>) src(%dma_wait3A_102 : memref<864xi32, #tpu.memory_space<hbm>>) dst(%dma_wait3A_101 : memref<864xi32, #tpu.memory_space<vmem>>)
      tpu.yield
    }) : () -> ()
    "tpu.region"() ({
      %run_scoped3A = tpu.sem_alloc : memref<!tpu.dma_semaphore, #tpu.memory_space<semaphore_mem>>
      %dma_start3A = arith.constant 3456 : i32
      %dma_start3A_93 = tpu.memref_slice %arg7[%dma_start3A] : memref<6912xf32, #tpu.memory_space<vmem>> -> memref<864xf32, #tpu.memory_space<vmem>>
      %dma_start3A_94 = tpu.memref_slice %arg3[%add3A_60] : memref<221184xf32, #tpu.memory_space<hbm>> -> memref<864xf32, #tpu.memory_space<hbm>>
      %dma_start3A_95 = arith.constant 3456 : i32
      %dma_start3A_96 = tpu.memref_slice %arg7[%dma_start3A_95] : memref<6912xf32, #tpu.memory_space<vmem>> -> memref<864xf32, #tpu.memory_space<vmem>>
      %dma_start3A_97 = tpu.memref_slice %arg3[%add3A_60] : memref<221184xf32, #tpu.memory_space<hbm>> -> memref<864xf32, #tpu.memory_space<hbm>>
      tpu.enqueue_dma source(%dma_start3A_97 : memref<864xf32, #tpu.memory_space<hbm>>) target(%dma_start3A_96 : memref<864xf32, #tpu.memory_space<vmem>>) target_semaphore(%run_scoped3A : memref<!tpu.dma_semaphore, #tpu.memory_space<semaphore_mem>>)
      %dma_wait3A = arith.constant 3456 : i32
      %dma_wait3A_98 = tpu.memref_slice %arg7[%dma_wait3A] : memref<6912xf32, #tpu.memory_space<vmem>> -> memref<864xf32, #tpu.memory_space<vmem>>
      %dma_wait3A_99 = tpu.memref_slice %arg3[%add3A_60] : memref<221184xf32, #tpu.memory_space<hbm>> -> memref<864xf32, #tpu.memory_space<hbm>>
      %dma_wait3A_100 = arith.constant 3456 : i32
      %dma_wait3A_101 = tpu.memref_slice %arg7[%dma_wait3A_100] : memref<6912xf32, #tpu.memory_space<vmem>> -> memref<864xf32, #tpu.memory_space<vmem>>
      %dma_wait3A_102 = tpu.memref_slice %arg3[%add3A_60] : memref<221184xf32, #tpu.memory_space<hbm>> -> memref<864xf32, #tpu.memory_space<hbm>>
      tpu.wait_dma2 semaphore(%run_scoped3A : memref<!tpu.dma_semaphore, #tpu.memory_space<semaphore_mem>>) src(%dma_wait3A_102 : memref<864xf32, #tpu.memory_space<hbm>>) dst(%dma_wait3A_101 : memref<864xf32, #tpu.memory_space<vmem>>)
      tpu.yield
    }) : () -> ()
    %mul3A_61 = arith.constant 8 : i32
    %mul3A_62 = arith.muli %select_n3A, %mul3A_61 : i32
    %add3A_63 = arith.constant 5 : i32
    %add3A_64 = arith.addi %mul3A_62, %add3A_63 : i32
    %mul3A_65 = arith.constant 13824 : i32
    %mul3A_66 = arith.muli %add3A_64, %mul3A_65 : i32
    %add3A_67 = arith.addi %mul3A_66, %sub3A_21 : i32
    "tpu.region"() ({
      %run_scoped3A = tpu.sem_alloc : memref<!tpu.dma_semaphore, #tpu.memory_space<semaphore_mem>>
      %dma_start3A = arith.constant 4320 : i32
      %dma_start3A_93 = tpu.memref_slice %arg6[%dma_start3A] : memref<6912xi32, #tpu.memory_space<vmem>> -> memref<864xi32, #tpu.memory_space<vmem>>
      %dma_start3A_94 = tpu.memref_slice %arg2[%add3A_67] : memref<221184xi32, #tpu.memory_space<hbm>> -> memref<864xi32, #tpu.memory_space<hbm>>
      %dma_start3A_95 = arith.constant 4320 : i32
      %dma_start3A_96 = tpu.memref_slice %arg6[%dma_start3A_95] : memref<6912xi32, #tpu.memory_space<vmem>> -> memref<864xi32, #tpu.memory_space<vmem>>
      %dma_start3A_97 = tpu.memref_slice %arg2[%add3A_67] : memref<221184xi32, #tpu.memory_space<hbm>> -> memref<864xi32, #tpu.memory_space<hbm>>
      tpu.enqueue_dma source(%dma_start3A_97 : memref<864xi32, #tpu.memory_space<hbm>>) target(%dma_start3A_96 : memref<864xi32, #tpu.memory_space<vmem>>) target_semaphore(%run_scoped3A : memref<!tpu.dma_semaphore, #tpu.memory_space<semaphore_mem>>)
      %dma_wait3A = arith.constant 4320 : i32
      %dma_wait3A_98 = tpu.memref_slice %arg6[%dma_wait3A] : memref<6912xi32, #tpu.memory_space<vmem>> -> memref<864xi32, #tpu.memory_space<vmem>>
      %dma_wait3A_99 = tpu.memref_slice %arg2[%add3A_67] : memref<221184xi32, #tpu.memory_space<hbm>> -> memref<864xi32, #tpu.memory_space<hbm>>
      %dma_wait3A_100 = arith.constant 4320 : i32
      %dma_wait3A_101 = tpu.memref_slice %arg6[%dma_wait3A_100] : memref<6912xi32, #tpu.memory_space<vmem>> -> memref<864xi32, #tpu.memory_space<vmem>>
      %dma_wait3A_102 = tpu.memref_slice %arg2[%add3A_67] : memref<221184xi32, #tpu.memory_space<hbm>> -> memref<864xi32, #tpu.memory_space<hbm>>
      tpu.wait_dma2 semaphore(%run_scoped3A : memref<!tpu.dma_semaphore, #tpu.memory_space<semaphore_mem>>) src(%dma_wait3A_102 : memref<864xi32, #tpu.memory_space<hbm>>) dst(%dma_wait3A_101 : memref<864xi32, #tpu.memory_space<vmem>>)
      tpu.yield
    }) : () -> ()
    "tpu.region"() ({
      %run_scoped3A = tpu.sem_alloc : memref<!tpu.dma_semaphore, #tpu.memory_space<semaphore_mem>>
      %dma_start3A = arith.constant 4320 : i32
      %dma_start3A_93 = tpu.memref_slice %arg7[%dma_start3A] : memref<6912xf32, #tpu.memory_space<vmem>> -> memref<864xf32, #tpu.memory_space<vmem>>
      %dma_start3A_94 = tpu.memref_slice %arg3[%add3A_67] : memref<221184xf32, #tpu.memory_space<hbm>> -> memref<864xf32, #tpu.memory_space<hbm>>
      %dma_start3A_95 = arith.constant 4320 : i32
      %dma_start3A_96 = tpu.memref_slice %arg7[%dma_start3A_95] : memref<6912xf32, #tpu.memory_space<vmem>> -> memref<864xf32, #tpu.memory_space<vmem>>
      %dma_start3A_97 = tpu.memref_slice %arg3[%add3A_67] : memref<221184xf32, #tpu.memory_space<hbm>> -> memref<864xf32, #tpu.memory_space<hbm>>
      tpu.enqueue_dma source(%dma_start3A_97 : memref<864xf32, #tpu.memory_space<hbm>>) target(%dma_start3A_96 : memref<864xf32, #tpu.memory_space<vmem>>) target_semaphore(%run_scoped3A : memref<!tpu.dma_semaphore, #tpu.memory_space<semaphore_mem>>)
      %dma_wait3A = arith.constant 4320 : i32
      %dma_wait3A_98 = tpu.memref_slice %arg7[%dma_wait3A] : memref<6912xf32, #tpu.memory_space<vmem>> -> memref<864xf32, #tpu.memory_space<vmem>>
      %dma_wait3A_99 = tpu.memref_slice %arg3[%add3A_67] : memref<221184xf32, #tpu.memory_space<hbm>> -> memref<864xf32, #tpu.memory_space<hbm>>
      %dma_wait3A_100 = arith.constant 4320 : i32
      %dma_wait3A_101 = tpu.memref_slice %arg7[%dma_wait3A_100] : memref<6912xf32, #tpu.memory_space<vmem>> -> memref<864xf32, #tpu.memory_space<vmem>>
      %dma_wait3A_102 = tpu.memref_slice %arg3[%add3A_67] : memref<221184xf32, #tpu.memory_space<hbm>> -> memref<864xf32, #tpu.memory_space<hbm>>
      tpu.wait_dma2 semaphore(%run_scoped3A : memref<!tpu.dma_semaphore, #tpu.memory_space<semaphore_mem>>) src(%dma_wait3A_102 : memref<864xf32, #tpu.memory_space<hbm>>) dst(%dma_wait3A_101 : memref<864xf32, #tpu.memory_space<vmem>>)
      tpu.yield
    }) : () -> ()
    %mul3A_68 = arith.constant 8 : i32
    %mul3A_69 = arith.muli %select_n3A, %mul3A_68 : i32
    %add3A_70 = arith.constant 6 : i32
    %add3A_71 = arith.addi %mul3A_69, %add3A_70 : i32
    %mul3A_72 = arith.constant 13824 : i32
    %mul3A_73 = arith.muli %add3A_71, %mul3A_72 : i32
    %add3A_74 = arith.addi %mul3A_73, %sub3A_21 : i32
    "tpu.region"() ({
      %run_scoped3A = tpu.sem_alloc : memref<!tpu.dma_semaphore, #tpu.memory_space<semaphore_mem>>
      %dma_start3A = arith.constant 5184 : i32
      %dma_start3A_93 = tpu.memref_slice %arg6[%dma_start3A] : memref<6912xi32, #tpu.memory_space<vmem>> -> memref<864xi32, #tpu.memory_space<vmem>>
      %dma_start3A_94 = tpu.memref_slice %arg2[%add3A_74] : memref<221184xi32, #tpu.memory_space<hbm>> -> memref<864xi32, #tpu.memory_space<hbm>>
      %dma_start3A_95 = arith.constant 5184 : i32
      %dma_start3A_96 = tpu.memref_slice %arg6[%dma_start3A_95] : memref<6912xi32, #tpu.memory_space<vmem>> -> memref<864xi32, #tpu.memory_space<vmem>>
      %dma_start3A_97 = tpu.memref_slice %arg2[%add3A_74] : memref<221184xi32, #tpu.memory_space<hbm>> -> memref<864xi32, #tpu.memory_space<hbm>>
      tpu.enqueue_dma source(%dma_start3A_97 : memref<864xi32, #tpu.memory_space<hbm>>) target(%dma_start3A_96 : memref<864xi32, #tpu.memory_space<vmem>>) target_semaphore(%run_scoped3A : memref<!tpu.dma_semaphore, #tpu.memory_space<semaphore_mem>>)
      %dma_wait3A = arith.constant 5184 : i32
      %dma_wait3A_98 = tpu.memref_slice %arg6[%dma_wait3A] : memref<6912xi32, #tpu.memory_space<vmem>> -> memref<864xi32, #tpu.memory_space<vmem>>
      %dma_wait3A_99 = tpu.memref_slice %arg2[%add3A_74] : memref<221184xi32, #tpu.memory_space<hbm>> -> memref<864xi32, #tpu.memory_space<hbm>>
      %dma_wait3A_100 = arith.constant 5184 : i32
      %dma_wait3A_101 = tpu.memref_slice %arg6[%dma_wait3A_100] : memref<6912xi32, #tpu.memory_space<vmem>> -> memref<864xi32, #tpu.memory_space<vmem>>
      %dma_wait3A_102 = tpu.memref_slice %arg2[%add3A_74] : memref<221184xi32, #tpu.memory_space<hbm>> -> memref<864xi32, #tpu.memory_space<hbm>>
      tpu.wait_dma2 semaphore(%run_scoped3A : memref<!tpu.dma_semaphore, #tpu.memory_space<semaphore_mem>>) src(%dma_wait3A_102 : memref<864xi32, #tpu.memory_space<hbm>>) dst(%dma_wait3A_101 : memref<864xi32, #tpu.memory_space<vmem>>)
      tpu.yield
    }) : () -> ()
    "tpu.region"() ({
      %run_scoped3A = tpu.sem_alloc : memref<!tpu.dma_semaphore, #tpu.memory_space<semaphore_mem>>
      %dma_start3A = arith.constant 5184 : i32
      %dma_start3A_93 = tpu.memref_slice %arg7[%dma_start3A] : memref<6912xf32, #tpu.memory_space<vmem>> -> memref<864xf32, #tpu.memory_space<vmem>>
      %dma_start3A_94 = tpu.memref_slice %arg3[%add3A_74] : memref<221184xf32, #tpu.memory_space<hbm>> -> memref<864xf32, #tpu.memory_space<hbm>>
      %dma_start3A_95 = arith.constant 5184 : i32
      %dma_start3A_96 = tpu.memref_slice %arg7[%dma_start3A_95] : memref<6912xf32, #tpu.memory_space<vmem>> -> memref<864xf32, #tpu.memory_space<vmem>>
      %dma_start3A_97 = tpu.memref_slice %arg3[%add3A_74] : memref<221184xf32, #tpu.memory_space<hbm>> -> memref<864xf32, #tpu.memory_space<hbm>>
      tpu.enqueue_dma source(%dma_start3A_97 : memref<864xf32, #tpu.memory_space<hbm>>) target(%dma_start3A_96 : memref<864xf32, #tpu.memory_space<vmem>>) target_semaphore(%run_scoped3A : memref<!tpu.dma_semaphore, #tpu.memory_space<semaphore_mem>>)
      %dma_wait3A = arith.constant 5184 : i32
      %dma_wait3A_98 = tpu.memref_slice %arg7[%dma_wait3A] : memref<6912xf32, #tpu.memory_space<vmem>> -> memref<864xf32, #tpu.memory_space<vmem>>
      %dma_wait3A_99 = tpu.memref_slice %arg3[%add3A_74] : memref<221184xf32, #tpu.memory_space<hbm>> -> memref<864xf32, #tpu.memory_space<hbm>>
      %dma_wait3A_100 = arith.constant 5184 : i32
      %dma_wait3A_101 = tpu.memref_slice %arg7[%dma_wait3A_100] : memref<6912xf32, #tpu.memory_space<vmem>> -> memref<864xf32, #tpu.memory_space<vmem>>
      %dma_wait3A_102 = tpu.memref_slice %arg3[%add3A_74] : memref<221184xf32, #tpu.memory_space<hbm>> -> memref<864xf32, #tpu.memory_space<hbm>>
      tpu.wait_dma2 semaphore(%run_scoped3A : memref<!tpu.dma_semaphore, #tpu.memory_space<semaphore_mem>>) src(%dma_wait3A_102 : memref<864xf32, #tpu.memory_space<hbm>>) dst(%dma_wait3A_101 : memref<864xf32, #tpu.memory_space<vmem>>)
      tpu.yield
    }) : () -> ()
    %mul3A_75 = arith.constant 8 : i32
    %mul3A_76 = arith.muli %select_n3A, %mul3A_75 : i32
    %add3A_77 = arith.constant 7 : i32
    %add3A_78 = arith.addi %mul3A_76, %add3A_77 : i32
    %mul3A_79 = arith.constant 13824 : i32
    %mul3A_80 = arith.muli %add3A_78, %mul3A_79 : i32
    %add3A_81 = arith.addi %mul3A_80, %sub3A_21 : i32
    "tpu.region"() ({
      %run_scoped3A = tpu.sem_alloc : memref<!tpu.dma_semaphore, #tpu.memory_space<semaphore_mem>>
      %dma_start3A = arith.constant 6048 : i32
      %dma_start3A_93 = tpu.memref_slice %arg6[%dma_start3A] : memref<6912xi32, #tpu.memory_space<vmem>> -> memref<864xi32, #tpu.memory_space<vmem>>
      %dma_start3A_94 = tpu.memref_slice %arg2[%add3A_81] : memref<221184xi32, #tpu.memory_space<hbm>> -> memref<864xi32, #tpu.memory_space<hbm>>
      %dma_start3A_95 = arith.constant 6048 : i32
      %dma_start3A_96 = tpu.memref_slice %arg6[%dma_start3A_95] : memref<6912xi32, #tpu.memory_space<vmem>> -> memref<864xi32, #tpu.memory_space<vmem>>
      %dma_start3A_97 = tpu.memref_slice %arg2[%add3A_81] : memref<221184xi32, #tpu.memory_space<hbm>> -> memref<864xi32, #tpu.memory_space<hbm>>
      tpu.enqueue_dma source(%dma_start3A_97 : memref<864xi32, #tpu.memory_space<hbm>>) target(%dma_start3A_96 : memref<864xi32, #tpu.memory_space<vmem>>) target_semaphore(%run_scoped3A : memref<!tpu.dma_semaphore, #tpu.memory_space<semaphore_mem>>)
      %dma_wait3A = arith.constant 6048 : i32
      %dma_wait3A_98 = tpu.memref_slice %arg6[%dma_wait3A] : memref<6912xi32, #tpu.memory_space<vmem>> -> memref<864xi32, #tpu.memory_space<vmem>>
      %dma_wait3A_99 = tpu.memref_slice %arg2[%add3A_81] : memref<221184xi32, #tpu.memory_space<hbm>> -> memref<864xi32, #tpu.memory_space<hbm>>
      %dma_wait3A_100 = arith.constant 6048 : i32
      %dma_wait3A_101 = tpu.memref_slice %arg6[%dma_wait3A_100] : memref<6912xi32, #tpu.memory_space<vmem>> -> memref<864xi32, #tpu.memory_space<vmem>>
      %dma_wait3A_102 = tpu.memref_slice %arg2[%add3A_81] : memref<221184xi32, #tpu.memory_space<hbm>> -> memref<864xi32, #tpu.memory_space<hbm>>
      tpu.wait_dma2 semaphore(%run_scoped3A : memref<!tpu.dma_semaphore, #tpu.memory_space<semaphore_mem>>) src(%dma_wait3A_102 : memref<864xi32, #tpu.memory_space<hbm>>) dst(%dma_wait3A_101 : memref<864xi32, #tpu.memory_space<vmem>>)
      tpu.yield
    }) : () -> ()
    "tpu.region"() ({
      %run_scoped3A = tpu.sem_alloc : memref<!tpu.dma_semaphore, #tpu.memory_space<semaphore_mem>>
      %dma_start3A = arith.constant 6048 : i32
      %dma_start3A_93 = tpu.memref_slice %arg7[%dma_start3A] : memref<6912xf32, #tpu.memory_space<vmem>> -> memref<864xf32, #tpu.memory_space<vmem>>
      %dma_start3A_94 = tpu.memref_slice %arg3[%add3A_81] : memref<221184xf32, #tpu.memory_space<hbm>> -> memref<864xf32, #tpu.memory_space<hbm>>
      %dma_start3A_95 = arith.constant 6048 : i32
      %dma_start3A_96 = tpu.memref_slice %arg7[%dma_start3A_95] : memref<6912xf32, #tpu.memory_space<vmem>> -> memref<864xf32, #tpu.memory_space<vmem>>
      %dma_start3A_97 = tpu.memref_slice %arg3[%add3A_81] : memref<221184xf32, #tpu.memory_space<hbm>> -> memref<864xf32, #tpu.memory_space<hbm>>
      tpu.enqueue_dma source(%dma_start3A_97 : memref<864xf32, #tpu.memory_space<hbm>>) target(%dma_start3A_96 : memref<864xf32, #tpu.memory_space<vmem>>) target_semaphore(%run_scoped3A : memref<!tpu.dma_semaphore, #tpu.memory_space<semaphore_mem>>)
      %dma_wait3A = arith.constant 6048 : i32
      %dma_wait3A_98 = tpu.memref_slice %arg7[%dma_wait3A] : memref<6912xf32, #tpu.memory_space<vmem>> -> memref<864xf32, #tpu.memory_space<vmem>>
      %dma_wait3A_99 = tpu.memref_slice %arg3[%add3A_81] : memref<221184xf32, #tpu.memory_space<hbm>> -> memref<864xf32, #tpu.memory_space<hbm>>
      %dma_wait3A_100 = arith.constant 6048 : i32
      %dma_wait3A_101 = tpu.memref_slice %arg7[%dma_wait3A_100] : memref<6912xf32, #tpu.memory_space<vmem>> -> memref<864xf32, #tpu.memory_space<vmem>>
      %dma_wait3A_102 = tpu.memref_slice %arg3[%add3A_81] : memref<221184xf32, #tpu.memory_space<hbm>> -> memref<864xf32, #tpu.memory_space<hbm>>
      tpu.wait_dma2 semaphore(%run_scoped3A : memref<!tpu.dma_semaphore, #tpu.memory_space<semaphore_mem>>) src(%dma_wait3A_102 : memref<864xf32, #tpu.memory_space<hbm>>) dst(%dma_wait3A_101 : memref<864xf32, #tpu.memory_space<vmem>>)
      tpu.yield
    }) : () -> ()
    %scan3A = arith.constant 0 : i32
    %scan3A_82 = arith.constant 0 : i32
    %scan3A_83 = arith.constant 54 : i32
    %scan3A_84 = arith.addi %scan3A_82, %scan3A_83 : i32
    %scan3A_85 = arith.constant 1 : i32
    scf.for %scan3A_93 = %scan3A_82 to %scan3A_84 step %scan3A_85  : i32 {
      %mul3A_94 = arith.constant 16 : i32
      %mul3A_95 = arith.muli %scan3A_93, %mul3A_94 : i32
      %broadcast_in_dim3A = arith.constant 0.000000e+00 : f32
      %broadcast_in_dim3A_96 = vector.broadcast %broadcast_in_dim3A : f32 to vector<16xf32>
      %broadcast_in_dim3A_97 = arith.constant 0.000000e+00 : f32
      %broadcast_in_dim3A_98 = vector.broadcast %broadcast_in_dim3A_97 : f32 to vector<16xf32>
      %broadcast_in_dim3A_99 = arith.constant 0.000000e+00 : f32
      %broadcast_in_dim3A_100 = vector.broadcast %broadcast_in_dim3A_99 : f32 to vector<16xf32>
      %broadcast_in_dim3A_101 = arith.constant 0.000000e+00 : f32
      %broadcast_in_dim3A_102 = vector.broadcast %broadcast_in_dim3A_101 : f32 to vector<16xf32>
      %add3A_103 = arith.constant 0 : i32
      %add3A_104 = arith.addi %add3A_103, %mul3A_95 : i32
      %get3A = arith.index_cast %add3A_104 : i32 to index
      %get3A_105 = tpu.vector_load %arg6[%get3A] {strides = array<i32>} : memref<6912xi32, #tpu.memory_space<vmem>>, vector<16xi32>,
      %add3A_106 = arith.constant 0 : i32
      %add3A_107 = arith.addi %add3A_106, %mul3A_95 : i32
      %get3A_108 = arith.index_cast %add3A_107 : i32 to index
      %get3A_109 = tpu.vector_load %arg7[%get3A_108] {strides = array<i32>} : memref<6912xf32, #tpu.memory_space<vmem>>, vector<16xf32>,
      %gather3A = tpu.vector_load_idx %arg8[%get3A_105] : memref<6144xf32, #tpu.memory_space<vmem>>[vector<16xi32>], vector<16xf32>,
      %add3A_110 = arith.constant 2048 : i32
      %add3A_111 = vector.broadcast %add3A_110 : i32 to vector<16xi32>
      %add3A_112 = arith.addi %get3A_105, %add3A_111 : vector<16xi32>
      %gather3A_113 = tpu.vector_load_idx %arg8[%add3A_112] : memref<6144xf32, #tpu.memory_space<vmem>>[vector<16xi32>], vector<16xf32>,
      %add3A_114 = arith.constant 4096 : i32
      %add3A_115 = vector.broadcast %add3A_114 : i32 to vector<16xi32>
      %add3A_116 = arith.addi %get3A_105, %add3A_115 : vector<16xi32>
      %gather3A_117 = tpu.vector_load_idx %arg8[%add3A_116] : memref<6144xf32, #tpu.memory_space<vmem>>[vector<16xi32>], vector<16xf32>,
      %mul3A_118 = arith.mulf %get3A_109, %gather3A : vector<16xf32>
      %add3A_119 = arith.addf %broadcast_in_dim3A_96, %mul3A_118 : vector<16xf32>
      %mul3A_120 = arith.mulf %get3A_109, %gather3A_113 : vector<16xf32>
      %add3A_121 = arith.addf %broadcast_in_dim3A_98, %mul3A_120 : vector<16xf32>
      %mul3A_122 = arith.mulf %get3A_109, %gather3A_117 : vector<16xf32>
      %add3A_123 = arith.addf %broadcast_in_dim3A_100, %mul3A_122 : vector<16xf32>
      %add3A_124 = arith.addf %broadcast_in_dim3A_102, %get3A_109 : vector<16xf32>
      %add3A_125 = arith.constant 864 : i32
      %add3A_126 = arith.addi %add3A_125, %mul3A_95 : i32
      %get3A_127 = arith.index_cast %add3A_126 : i32 to index
      %get3A_128 = tpu.vector_load %arg6[%get3A_127] {strides = array<i32>} : memref<6912xi32, #tpu.memory_space<vmem>>, vector<16xi32>,
      %add3A_129 = arith.constant 864 : i32
      %add3A_130 = arith.addi %add3A_129, %mul3A_95 : i32
      %get3A_131 = arith.index_cast %add3A_130 : i32 to index
      %get3A_132 = tpu.vector_load %arg7[%get3A_131] {strides = array<i32>} : memref<6912xf32, #tpu.memory_space<vmem>>, vector<16xf32>,
      %gather3A_133 = tpu.vector_load_idx %arg8[%get3A_128] : memref<6144xf32, #tpu.memory_space<vmem>>[vector<16xi32>], vector<16xf32>,
      %add3A_134 = arith.constant 2048 : i32
      %add3A_135 = vector.broadcast %add3A_134 : i32 to vector<16xi32>
      %add3A_136 = arith.addi %get3A_128, %add3A_135 : vector<16xi32>
      %gather3A_137 = tpu.vector_load_idx %arg8[%add3A_136] : memref<6144xf32, #tpu.memory_space<vmem>>[vector<16xi32>], vector<16xf32>,
      %add3A_138 = arith.constant 4096 : i32
      %add3A_139 = vector.broadcast %add3A_138 : i32 to vector<16xi32>
      %add3A_140 = arith.addi %get3A_128, %add3A_139 : vector<16xi32>
      %gather3A_141 = tpu.vector_load_idx %arg8[%add3A_140] : memref<6144xf32, #tpu.memory_space<vmem>>[vector<16xi32>], vector<16xf32>,
      %mul3A_142 = arith.mulf %get3A_132, %gather3A_133 : vector<16xf32>
      %add3A_143 = arith.addf %add3A_119, %mul3A_142 : vector<16xf32>
      %mul3A_144 = arith.mulf %get3A_132, %gather3A_137 : vector<16xf32>
      %add3A_145 = arith.addf %add3A_121, %mul3A_144 : vector<16xf32>
      %mul3A_146 = arith.mulf %get3A_132, %gather3A_141 : vector<16xf32>
      %add3A_147 = arith.addf %add3A_123, %mul3A_146 : vector<16xf32>
      %add3A_148 = arith.addf %add3A_124, %get3A_132 : vector<16xf32>
      %add3A_149 = arith.constant 1728 : i32
      %add3A_150 = arith.addi %add3A_149, %mul3A_95 : i32
      %get3A_151 = arith.index_cast %add3A_150 : i32 to index
      %get3A_152 = tpu.vector_load %arg6[%get3A_151] {strides = array<i32>} : memref<6912xi32, #tpu.memory_space<vmem>>, vector<16xi32>,
      %add3A_153 = arith.constant 1728 : i32
      %add3A_154 = arith.addi %add3A_153, %mul3A_95 : i32
      %get3A_155 = arith.index_cast %add3A_154 : i32 to index
      %get3A_156 = tpu.vector_load %arg7[%get3A_155] {strides = array<i32>} : memref<6912xf32, #tpu.memory_space<vmem>>, vector<16xf32>,
      %gather3A_157 = tpu.vector_load_idx %arg8[%get3A_152] : memref<6144xf32, #tpu.memory_space<vmem>>[vector<16xi32>], vector<16xf32>,
      %add3A_158 = arith.constant 2048 : i32
      %add3A_159 = vector.broadcast %add3A_158 : i32 to vector<16xi32>
      %add3A_160 = arith.addi %get3A_152, %add3A_159 : vector<16xi32>
      %gather3A_161 = tpu.vector_load_idx %arg8[%add3A_160] : memref<6144xf32, #tpu.memory_space<vmem>>[vector<16xi32>], vector<16xf32>,
      %add3A_162 = arith.constant 4096 : i32
      %add3A_163 = vector.broadcast %add3A_162 : i32 to vector<16xi32>
      %add3A_164 = arith.addi %get3A_152, %add3A_163 : vector<16xi32>
      %gather3A_165 = tpu.vector_load_idx %arg8[%add3A_164] : memref<6144xf32, #tpu.memory_space<vmem>>[vector<16xi32>], vector<16xf32>,
      %mul3A_166 = arith.mulf %get3A_156, %gather3A_157 : vector<16xf32>
      %add3A_167 = arith.addf %add3A_143, %mul3A_166 : vector<16xf32>
      %mul3A_168 = arith.mulf %get3A_156, %gather3A_161 : vector<16xf32>
      %add3A_169 = arith.addf %add3A_145, %mul3A_168 : vector<16xf32>
      %mul3A_170 = arith.mulf %get3A_156, %gather3A_165 : vector<16xf32>
      %add3A_171 = arith.addf %add3A_147, %mul3A_170 : vector<16xf32>
      %add3A_172 = arith.addf %add3A_148, %get3A_156 : vector<16xf32>
      %add3A_173 = arith.constant 2592 : i32
      %add3A_174 = arith.addi %add3A_173, %mul3A_95 : i32
      %get3A_175 = arith.index_cast %add3A_174 : i32 to index
      %get3A_176 = tpu.vector_load %arg6[%get3A_175] {strides = array<i32>} : memref<6912xi32, #tpu.memory_space<vmem>>, vector<16xi32>,
      %add3A_177 = arith.constant 2592 : i32
      %add3A_178 = arith.addi %add3A_177, %mul3A_95 : i32
      %get3A_179 = arith.index_cast %add3A_178 : i32 to index
      %get3A_180 = tpu.vector_load %arg7[%get3A_179] {strides = array<i32>} : memref<6912xf32, #tpu.memory_space<vmem>>, vector<16xf32>,
      %gather3A_181 = tpu.vector_load_idx %arg8[%get3A_176] : memref<6144xf32, #tpu.memory_space<vmem>>[vector<16xi32>], vector<16xf32>,
      %add3A_182 = arith.constant 2048 : i32
      %add3A_183 = vector.broadcast %add3A_182 : i32 to vector<16xi32>
      %add3A_184 = arith.addi %get3A_176, %add3A_183 : vector<16xi32>
      %gather3A_185 = tpu.vector_load_idx %arg8[%add3A_184] : memref<6144xf32, #tpu.memory_space<vmem>>[vector<16xi32>], vector<16xf32>,
      %add3A_186 = arith.constant 4096 : i32
      %add3A_187 = vector.broadcast %add3A_186 : i32 to vector<16xi32>
      %add3A_188 = arith.addi %get3A_176, %add3A_187 : vector<16xi32>
      %gather3A_189 = tpu.vector_load_idx %arg8[%add3A_188] : memref<6144xf32, #tpu.memory_space<vmem>>[vector<16xi32>], vector<16xf32>,
      %mul3A_190 = arith.mulf %get3A_180, %gather3A_181 : vector<16xf32>
      %add3A_191 = arith.addf %add3A_167, %mul3A_190 : vector<16xf32>
      %mul3A_192 = arith.mulf %get3A_180, %gather3A_185 : vector<16xf32>
      %add3A_193 = arith.addf %add3A_169, %mul3A_192 : vector<16xf32>
      %mul3A_194 = arith.mulf %get3A_180, %gather3A_189 : vector<16xf32>
      %add3A_195 = arith.addf %add3A_171, %mul3A_194 : vector<16xf32>
      %add3A_196 = arith.addf %add3A_172, %get3A_180 : vector<16xf32>
      %add3A_197 = arith.constant 3456 : i32
      %add3A_198 = arith.addi %add3A_197, %mul3A_95 : i32
      %get3A_199 = arith.index_cast %add3A_198 : i32 to index
      %get3A_200 = tpu.vector_load %arg6[%get3A_199] {strides = array<i32>} : memref<6912xi32, #tpu.memory_space<vmem>>, vector<16xi32>,
      %add3A_201 = arith.constant 3456 : i32
      %add3A_202 = arith.addi %add3A_201, %mul3A_95 : i32
      %get3A_203 = arith.index_cast %add3A_202 : i32 to index
      %get3A_204 = tpu.vector_load %arg7[%get3A_203] {strides = array<i32>} : memref<6912xf32, #tpu.memory_space<vmem>>, vector<16xf32>,
      %gather3A_205 = tpu.vector_load_idx %arg8[%get3A_200] : memref<6144xf32, #tpu.memory_space<vmem>>[vector<16xi32>], vector<16xf32>,
      %add3A_206 = arith.constant 2048 : i32
      %add3A_207 = vector.broadcast %add3A_206 : i32 to vector<16xi32>
      %add3A_208 = arith.addi %get3A_200, %add3A_207 : vector<16xi32>
      %gather3A_209 = tpu.vector_load_idx %arg8[%add3A_208] : memref<6144xf32, #tpu.memory_space<vmem>>[vector<16xi32>], vector<16xf32>,
      %add3A_210 = arith.constant 4096 : i32
      %add3A_211 = vector.broadcast %add3A_210 : i32 to vector<16xi32>
      %add3A_212 = arith.addi %get3A_200, %add3A_211 : vector<16xi32>
      %gather3A_213 = tpu.vector_load_idx %arg8[%add3A_212] : memref<6144xf32, #tpu.memory_space<vmem>>[vector<16xi32>], vector<16xf32>,
      %mul3A_214 = arith.mulf %get3A_204, %gather3A_205 : vector<16xf32>
      %add3A_215 = arith.addf %add3A_191, %mul3A_214 : vector<16xf32>
      %mul3A_216 = arith.mulf %get3A_204, %gather3A_209 : vector<16xf32>
      %add3A_217 = arith.addf %add3A_193, %mul3A_216 : vector<16xf32>
      %mul3A_218 = arith.mulf %get3A_204, %gather3A_213 : vector<16xf32>
      %add3A_219 = arith.addf %add3A_195, %mul3A_218 : vector<16xf32>
      %add3A_220 = arith.addf %add3A_196, %get3A_204 : vector<16xf32>
      %add3A_221 = arith.constant 4320 : i32
      %add3A_222 = arith.addi %add3A_221, %mul3A_95 : i32
      %get3A_223 = arith.index_cast %add3A_222 : i32 to index
      %get3A_224 = tpu.vector_load %arg6[%get3A_223] {strides = array<i32>} : memref<6912xi32, #tpu.memory_space<vmem>>, vector<16xi32>,
      %add3A_225 = arith.constant 4320 : i32
      %add3A_226 = arith.addi %add3A_225, %mul3A_95 : i32
      %get3A_227 = arith.index_cast %add3A_226 : i32 to index
      %get3A_228 = tpu.vector_load %arg7[%get3A_227] {strides = array<i32>} : memref<6912xf32, #tpu.memory_space<vmem>>, vector<16xf32>,
      %gather3A_229 = tpu.vector_load_idx %arg8[%get3A_224] : memref<6144xf32, #tpu.memory_space<vmem>>[vector<16xi32>], vector<16xf32>,
      %add3A_230 = arith.constant 2048 : i32
      %add3A_231 = vector.broadcast %add3A_230 : i32 to vector<16xi32>
      %add3A_232 = arith.addi %get3A_224, %add3A_231 : vector<16xi32>
      %gather3A_233 = tpu.vector_load_idx %arg8[%add3A_232] : memref<6144xf32, #tpu.memory_space<vmem>>[vector<16xi32>], vector<16xf32>,
      %add3A_234 = arith.constant 4096 : i32
      %add3A_235 = vector.broadcast %add3A_234 : i32 to vector<16xi32>
      %add3A_236 = arith.addi %get3A_224, %add3A_235 : vector<16xi32>
      %gather3A_237 = tpu.vector_load_idx %arg8[%add3A_236] : memref<6144xf32, #tpu.memory_space<vmem>>[vector<16xi32>], vector<16xf32>,
      %mul3A_238 = arith.mulf %get3A_228, %gather3A_229 : vector<16xf32>
      %add3A_239 = arith.addf %add3A_215, %mul3A_238 : vector<16xf32>
      %mul3A_240 = arith.mulf %get3A_228, %gather3A_233 : vector<16xf32>
      %add3A_241 = arith.addf %add3A_217, %mul3A_240 : vector<16xf32>
      %mul3A_242 = arith.mulf %get3A_228, %gather3A_237 : vector<16xf32>
      %add3A_243 = arith.addf %add3A_219, %mul3A_242 : vector<16xf32>
      %add3A_244 = arith.addf %add3A_220, %get3A_228 : vector<16xf32>
      %add3A_245 = arith.constant 5184 : i32
      %add3A_246 = arith.addi %add3A_245, %mul3A_95 : i32
      %get3A_247 = arith.index_cast %add3A_246 : i32 to index
      %get3A_248 = tpu.vector_load %arg6[%get3A_247] {strides = array<i32>} : memref<6912xi32, #tpu.memory_space<vmem>>, vector<16xi32>,
      %add3A_249 = arith.constant 5184 : i32
      %add3A_250 = arith.addi %add3A_249, %mul3A_95 : i32
      %get3A_251 = arith.index_cast %add3A_250 : i32 to index
      %get3A_252 = tpu.vector_load %arg7[%get3A_251] {strides = array<i32>} : memref<6912xf32, #tpu.memory_space<vmem>>, vector<16xf32>,
      %gather3A_253 = tpu.vector_load_idx %arg8[%get3A_248] : memref<6144xf32, #tpu.memory_space<vmem>>[vector<16xi32>], vector<16xf32>,
      %add3A_254 = arith.constant 2048 : i32
      %add3A_255 = vector.broadcast %add3A_254 : i32 to vector<16xi32>
      %add3A_256 = arith.addi %get3A_248, %add3A_255 : vector<16xi32>
      %gather3A_257 = tpu.vector_load_idx %arg8[%add3A_256] : memref<6144xf32, #tpu.memory_space<vmem>>[vector<16xi32>], vector<16xf32>,
      %add3A_258 = arith.constant 4096 : i32
      %add3A_259 = vector.broadcast %add3A_258 : i32 to vector<16xi32>
      %add3A_260 = arith.addi %get3A_248, %add3A_259 : vector<16xi32>
      %gather3A_261 = tpu.vector_load_idx %arg8[%add3A_260] : memref<6144xf32, #tpu.memory_space<vmem>>[vector<16xi32>], vector<16xf32>,
      %mul3A_262 = arith.mulf %get3A_252, %gather3A_253 : vector<16xf32>
      %add3A_263 = arith.addf %add3A_239, %mul3A_262 : vector<16xf32>
      %mul3A_264 = arith.mulf %get3A_252, %gather3A_257 : vector<16xf32>
      %add3A_265 = arith.addf %add3A_241, %mul3A_264 : vector<16xf32>
      %mul3A_266 = arith.mulf %get3A_252, %gather3A_261 : vector<16xf32>
      %add3A_267 = arith.addf %add3A_243, %mul3A_266 : vector<16xf32>
      %add3A_268 = arith.addf %add3A_244, %get3A_252 : vector<16xf32>
      %add3A_269 = arith.constant 6048 : i32
      %add3A_270 = arith.addi %add3A_269, %mul3A_95 : i32
      %get3A_271 = arith.index_cast %add3A_270 : i32 to index
      %get3A_272 = tpu.vector_load %arg6[%get3A_271] {strides = array<i32>} : memref<6912xi32, #tpu.memory_space<vmem>>, vector<16xi32>,
      %add3A_273 = arith.constant 6048 : i32
      %add3A_274 = arith.addi %add3A_273, %mul3A_95 : i32
      %get3A_275 = arith.index_cast %add3A_274 : i32 to index
      %get3A_276 = tpu.vector_load %arg7[%get3A_275] {strides = array<i32>} : memref<6912xf32, #tpu.memory_space<vmem>>, vector<16xf32>,
      %gather3A_277 = tpu.vector_load_idx %arg8[%get3A_272] : memref<6144xf32, #tpu.memory_space<vmem>>[vector<16xi32>], vector<16xf32>,
      %add3A_278 = arith.constant 2048 : i32
      %add3A_279 = vector.broadcast %add3A_278 : i32 to vector<16xi32>
      %add3A_280 = arith.addi %get3A_272, %add3A_279 : vector<16xi32>
      %gather3A_281 = tpu.vector_load_idx %arg8[%add3A_280] : memref<6144xf32, #tpu.memory_space<vmem>>[vector<16xi32>], vector<16xf32>,
      %add3A_282 = arith.constant 4096 : i32
      %add3A_283 = vector.broadcast %add3A_282 : i32 to vector<16xi32>
      %add3A_284 = arith.addi %get3A_272, %add3A_283 : vector<16xi32>
      %gather3A_285 = tpu.vector_load_idx %arg8[%add3A_284] : memref<6144xf32, #tpu.memory_space<vmem>>[vector<16xi32>], vector<16xf32>,
      %mul3A_286 = arith.mulf %get3A_276, %gather3A_277 : vector<16xf32>
      %add3A_287 = arith.addf %add3A_263, %mul3A_286 : vector<16xf32>
      %mul3A_288 = arith.mulf %get3A_276, %gather3A_281 : vector<16xf32>
      %add3A_289 = arith.addf %add3A_265, %mul3A_288 : vector<16xf32>
      %mul3A_290 = arith.mulf %get3A_276, %gather3A_285 : vector<16xf32>
      %add3A_291 = arith.addf %add3A_267, %mul3A_290 : vector<16xf32>
      %add3A_292 = arith.addf %add3A_268, %get3A_276 : vector<16xf32>
      %div3A_293 = arith.constant 1.000000e+00 : f32
      %div3A_294 = vector.broadcast %div3A_293 : f32 to vector<16xf32>
      %div3A_295 = arith.divf %div3A_294, %add3A_292 : vector<16xf32>
      %mul3A_296 = arith.mulf %add3A_287, %div3A_295 : vector<16xf32>
      %swap3A = arith.index_cast %mul3A_95 : i32 to index
      %swap3A_297 = tpu.vector_load %arg9[%swap3A] {strides = array<i32>} : memref<2592xf32, #tpu.memory_space<vmem>>, vector<16xf32>,
      tpu.vector_store %arg9[%swap3A], %mul3A_296 {strides = array<i32>} : memref<2592xf32, #tpu.memory_space<vmem>>, vector<16xf32>,
      %mul3A_298 = arith.mulf %add3A_289, %div3A_295 : vector<16xf32>
      %add3A_299 = arith.constant 864 : i32
      %add3A_300 = arith.addi %add3A_299, %mul3A_95 : i32
      %swap3A_301 = arith.index_cast %add3A_300 : i32 to index
      %swap3A_302 = tpu.vector_load %arg9[%swap3A_301] {strides = array<i32>} : memref<2592xf32, #tpu.memory_space<vmem>>, vector<16xf32>,
      tpu.vector_store %arg9[%swap3A_301], %mul3A_298 {strides = array<i32>} : memref<2592xf32, #tpu.memory_space<vmem>>, vector<16xf32>,
      %mul3A_303 = arith.mulf %add3A_291, %div3A_295 : vector<16xf32>
      %add3A_304 = arith.constant 1728 : i32
      %add3A_305 = arith.addi %add3A_304, %mul3A_95 : i32
      %swap3A_306 = arith.index_cast %add3A_305 : i32 to index
      %swap3A_307 = tpu.vector_load %arg9[%swap3A_306] {strides = array<i32>} : memref<2592xf32, #tpu.memory_space<vmem>>, vector<16xf32>,
      tpu.vector_store %arg9[%swap3A_306], %mul3A_303 {strides = array<i32>} : memref<2592xf32, #tpu.memory_space<vmem>>, vector<16xf32>,
    }
    %scan3A_86 = arith.constant 54 : i32
    %add3A_87 = arith.constant 0 : i32
    %add3A_88 = arith.addi %add3A_87, %mul3A_2 : i32
    "tpu.region"() ({
      %run_scoped3A = tpu.sem_alloc : memref<!tpu.dma_semaphore, #tpu.memory_space<semaphore_mem>>
      %dma_start3A = arith.constant 0 : i32
      %dma_start3A_93 = tpu.memref_slice %arg9[%dma_start3A] : memref<2592xf32, #tpu.memory_space<vmem>> -> memref<864xf32, #tpu.memory_space<vmem>>
      %dma_start3A_94 = tpu.memref_slice %arg5[%add3A_88] : memref<82944xf32, #tpu.memory_space<hbm>> -> memref<864xf32, #tpu.memory_space<hbm>>
      %dma_start3A_95 = tpu.memref_slice %arg5[%add3A_88] : memref<82944xf32, #tpu.memory_space<hbm>> -> memref<864xf32, #tpu.memory_space<hbm>>
      %dma_start3A_96 = arith.constant 0 : i32
      %dma_start3A_97 = tpu.memref_slice %arg9[%dma_start3A_96] : memref<2592xf32, #tpu.memory_space<vmem>> -> memref<864xf32, #tpu.memory_space<vmem>>
      tpu.enqueue_dma source(%dma_start3A_97 : memref<864xf32, #tpu.memory_space<vmem>>) target(%dma_start3A_95 : memref<864xf32, #tpu.memory_space<hbm>>) target_semaphore(%run_scoped3A : memref<!tpu.dma_semaphore, #tpu.memory_space<semaphore_mem>>)
      %dma_wait3A = arith.constant 0 : i32
      %dma_wait3A_98 = tpu.memref_slice %arg9[%dma_wait3A] : memref<2592xf32, #tpu.memory_space<vmem>> -> memref<864xf32, #tpu.memory_space<vmem>>
      %dma_wait3A_99 = tpu.memref_slice %arg5[%add3A_88] : memref<82944xf32, #tpu.memory_space<hbm>> -> memref<864xf32, #tpu.memory_space<hbm>>
      %dma_wait3A_100 = tpu.memref_slice %arg5[%add3A_88] : memref<82944xf32, #tpu.memory_space<hbm>> -> memref<864xf32, #tpu.memory_space<hbm>>
      %dma_wait3A_101 = arith.constant 0 : i32
      %dma_wait3A_102 = tpu.memref_slice %arg9[%dma_wait3A_101] : memref<2592xf32, #tpu.memory_space<vmem>> -> memref<864xf32, #tpu.memory_space<vmem>>
      tpu.wait_dma2 semaphore(%run_scoped3A : memref<!tpu.dma_semaphore, #tpu.memory_space<semaphore_mem>>) src(%dma_wait3A_102 : memref<864xf32, #tpu.memory_space<vmem>>) dst(%dma_wait3A_100 : memref<864xf32, #tpu.memory_space<hbm>>)
      tpu.yield
    }) : () -> ()
    %add3A_89 = arith.constant 27648 : i32
    %add3A_90 = arith.addi %add3A_89, %mul3A_2 : i32
    "tpu.region"() ({
      %run_scoped3A = tpu.sem_alloc : memref<!tpu.dma_semaphore, #tpu.memory_space<semaphore_mem>>
      %dma_start3A = arith.constant 864 : i32
      %dma_start3A_93 = tpu.memref_slice %arg9[%dma_start3A] : memref<2592xf32, #tpu.memory_space<vmem>> -> memref<864xf32, #tpu.memory_space<vmem>>
      %dma_start3A_94 = tpu.memref_slice %arg5[%add3A_90] : memref<82944xf32, #tpu.memory_space<hbm>> -> memref<864xf32, #tpu.memory_space<hbm>>
      %dma_start3A_95 = tpu.memref_slice %arg5[%add3A_90] : memref<82944xf32, #tpu.memory_space<hbm>> -> memref<864xf32, #tpu.memory_space<hbm>>
      %dma_start3A_96 = arith.constant 864 : i32
      %dma_start3A_97 = tpu.memref_slice %arg9[%dma_start3A_96] : memref<2592xf32, #tpu.memory_space<vmem>> -> memref<864xf32, #tpu.memory_space<vmem>>
      tpu.enqueue_dma source(%dma_start3A_97 : memref<864xf32, #tpu.memory_space<vmem>>) target(%dma_start3A_95 : memref<864xf32, #tpu.memory_space<hbm>>) target_semaphore(%run_scoped3A : memref<!tpu.dma_semaphore, #tpu.memory_space<semaphore_mem>>)
      %dma_wait3A = arith.constant 864 : i32
      %dma_wait3A_98 = tpu.memref_slice %arg9[%dma_wait3A] : memref<2592xf32, #tpu.memory_space<vmem>> -> memref<864xf32, #tpu.memory_space<vmem>>
      %dma_wait3A_99 = tpu.memref_slice %arg5[%add3A_90] : memref<82944xf32, #tpu.memory_space<hbm>> -> memref<864xf32, #tpu.memory_space<hbm>>
      %dma_wait3A_100 = tpu.memref_slice %arg5[%add3A_90] : memref<82944xf32, #tpu.memory_space<hbm>> -> memref<864xf32, #tpu.memory_space<hbm>>
      %dma_wait3A_101 = arith.constant 864 : i32
      %dma_wait3A_102 = tpu.memref_slice %arg9[%dma_wait3A_101] : memref<2592xf32, #tpu.memory_space<vmem>> -> memref<864xf32, #tpu.memory_space<vmem>>
      tpu.wait_dma2 semaphore(%run_scoped3A : memref<!tpu.dma_semaphore, #tpu.memory_space<semaphore_mem>>) src(%dma_wait3A_102 : memref<864xf32, #tpu.memory_space<vmem>>) dst(%dma_wait3A_100 : memref<864xf32, #tpu.memory_space<hbm>>)
      tpu.yield
    }) : () -> ()
    %add3A_91 = arith.constant 55296 : i32
    %add3A_92 = arith.addi %add3A_91, %mul3A_2 : i32
    "tpu.region"() ({
      %run_scoped3A = tpu.sem_alloc : memref<!tpu.dma_semaphore, #tpu.memory_space<semaphore_mem>>
      %dma_start3A = arith.constant 1728 : i32
      %dma_start3A_93 = tpu.memref_slice %arg9[%dma_start3A] : memref<2592xf32, #tpu.memory_space<vmem>> -> memref<864xf32, #tpu.memory_space<vmem>>
      %dma_start3A_94 = tpu.memref_slice %arg5[%add3A_92] : memref<82944xf32, #tpu.memory_space<hbm>> -> memref<864xf32, #tpu.memory_space<hbm>>
      %dma_start3A_95 = tpu.memref_slice %arg5[%add3A_92] : memref<82944xf32, #tpu.memory_space<hbm>> -> memref<864xf32, #tpu.memory_space<hbm>>
      %dma_start3A_96 = arith.constant 1728 : i32
      %dma_start3A_97 = tpu.memref_slice %arg9[%dma_start3A_96] : memref<2592xf32, #tpu.memory_space<vmem>> -> memref<864xf32, #tpu.memory_space<vmem>>
      tpu.enqueue_dma source(%dma_start3A_97 : memref<864xf32, #tpu.memory_space<vmem>>) target(%dma_start3A_95 : memref<864xf32, #tpu.memory_space<hbm>>) target_semaphore(%run_scoped3A : memref<!tpu.dma_semaphore, #tpu.memory_space<semaphore_mem>>)
      %dma_wait3A = arith.constant 1728 : i32
      %dma_wait3A_98 = tpu.memref_slice %arg9[%dma_wait3A] : memref<2592xf32, #tpu.memory_space<vmem>> -> memref<864xf32, #tpu.memory_space<vmem>>
      %dma_wait3A_99 = tpu.memref_slice %arg5[%add3A_92] : memref<82944xf32, #tpu.memory_space<hbm>> -> memref<864xf32, #tpu.memory_space<hbm>>
      %dma_wait3A_100 = tpu.memref_slice %arg5[%add3A_92] : memref<82944xf32, #tpu.memory_space<hbm>> -> memref<864xf32, #tpu.memory_space<hbm>>
      %dma_wait3A_101 = arith.constant 1728 : i32
      %dma_wait3A_102 = tpu.memref_slice %arg9[%dma_wait3A_101] : memref<2592xf32, #tpu.memory_space<vmem>> -> memref<864xf32, #tpu.memory_space<vmem>>
      tpu.wait_dma2 semaphore(%run_scoped3A : memref<!tpu.dma_semaphore, #tpu.memory_space<semaphore_mem>>) src(%dma_wait3A_102 : memref<864xf32, #tpu.memory_space<vmem>>) dst(%dma_wait3A_100 : memref<864xf32, #tpu.memory_space<hbm>>)
      tpu.yield
    }) : () -> ()
    return
  }
}

module attributes {stable_mosaic.version = 14 : i64} {
  func.func @_knn_select_kernel(%arg0: i32, %arg1: i32, %arg2: memref<1x2048x3xf32, #tpu.memory_space<vmem>>, %arg3: memref<1x3x1152xf32, #tpu.memory_space<vmem>>, %arg4: memref<1x8x1152xi32, #tpu.memory_space<vmem>>, %arg5: memref<1x8x1152xf32, #tpu.memory_space<vmem>>) attributes {dimension_semantics = [#tpu.dimension_semantics<arbitrary>, #tpu.dimension_semantics<arbitrary>], iteration_bounds = array<i64: 2, 12>, scalar_prefetch = 0 : i64, scratch_operands = 0 : i64, tpu.core_type = #tpu.core_type<tc>, window_params = [{transform_indices = @transform_0, window_bounds = array<i64: 1, 2048, 3>}, {transform_indices = @transform_1, window_bounds = array<i64: 1, 3, 1152>}, {transform_indices = @transform_2, window_bounds = array<i64: 1, 8, 1152>}, {transform_indices = @transform_3, window_bounds = array<i64: 1, 8, 1152>}]} {
    %get3A = arith.constant 0 : index
    %get3A_0 = arith.constant 0 : index
    %get3A_1 = arith.constant 0 : index
    %get3A_2 = vector.load %arg2[%get3A, %get3A_0, %get3A_1] : memref<1x2048x3xf32, #tpu.memory_space<vmem>>, vector<1x2048x3xf32>
    %get3A_3 = vector.shape_cast %get3A_2 : vector<1x2048x3xf32> to vector<2048x3xf32>
    %get3A_4 = arith.constant 0 : index
    %get3A_5 = arith.constant 0 : index
    %get3A_6 = arith.constant 0 : index
    %get3A_7 = vector.load %arg3[%get3A_4, %get3A_5, %get3A_6] : memref<1x3x1152xf32, #tpu.memory_space<vmem>>, vector<1x3x1152xf32>
    %get3A_8 = vector.shape_cast %get3A_7 : vector<1x3x1152xf32> to vector<3x1152xf32>
    %mul3A = arith.mulf %get3A_3, %get3A_3 : vector<2048x3xf32>
    %reduce_sum3A = arith.constant dense<0.000000e+00> : vector<2048xf32>
    %reduce_sum3A_9 = vector.multi_reduction <add>, %mul3A, %reduce_sum3A [1] : vector<2048x3xf32> to vector<2048xf32>
    %broadcast_in_dim3A = vector.shape_cast %reduce_sum3A_9 : vector<2048xf32> to vector<2048x1xf32>
    %mul3A_10 = arith.mulf %get3A_8, %get3A_8 : vector<3x1152xf32>
    %reduce_sum3A_11 = arith.constant dense<0.000000e+00> : vector<1152xf32>
    %reduce_sum3A_12 = vector.multi_reduction <add>, %mul3A_10, %reduce_sum3A_11 [0] : vector<3x1152xf32> to vector<1152xf32>
    %broadcast_in_dim3A_13 = vector.shape_cast %reduce_sum3A_12 : vector<1152xf32> to vector<1x1152xf32>
    %dot_general3A = arith.constant dense<0.000000e+00> : vector<2048x1152xf32>
    %dot_general3A_14 = tpu.matmul %get3A_3, %get3A_8, %dot_general3A {dimension_numbers = #tpu.dot_dimension_numbers<[1], [0], [0], [1], [0, 0, 1, 1], [], []>, transpose_lhs_hint = false} : vector<2048x3xf32>, vector<3x1152xf32>, vector<2048x1152xf32> -> vector<2048x1152xf32>
    %add3A = vector.broadcast %broadcast_in_dim3A : vector<2048x1xf32> to vector<2048x1152xf32>
    %add3A_15 = vector.broadcast %broadcast_in_dim3A_13 : vector<1x1152xf32> to vector<2048x1152xf32>
    %add3A_16 = arith.addf %add3A, %add3A_15 : vector<2048x1152xf32>
    %mul3A_17 = arith.constant 2.000000e+00 : f32
    %mul3A_18 = vector.broadcast %mul3A_17 : f32 to vector<2048x1152xf32>
    %mul3A_19 = arith.mulf %mul3A_18, %dot_general3A_14 : vector<2048x1152xf32>
    %sub3A = arith.subf %add3A_16, %mul3A_19 : vector<2048x1152xf32>
    %iota3A = tpu.iota {dimensions = array<i32: 0>} : vector<2048x1152xi32>
    %bitcast_convert_type3A = tpu.bitcast %sub3A : vector<2048x1152xf32> -> vector<2048x1152xi32>
    %and3A = arith.constant -2048 : i32
    %and3A_20 = vector.broadcast %and3A : i32 to vector<2048x1152xi32>
    %and3A_21 = arith.andi %bitcast_convert_type3A, %and3A_20 : vector<2048x1152xi32>
    %or3A = arith.ori %and3A_21, %iota3A : vector<2048x1152xi32>
    %bitcast_convert_type3A_22 = tpu.bitcast %or3A : vector<2048x1152xi32> -> vector<2048x1152xf32>
    %slice3A = vector.extract_strided_slice %bitcast_convert_type3A_22 {offsets = [0, 0], sizes = [1024, 1152], strides = [1, 1]} : vector<2048x1152xf32> to vector<1024x1152xf32>
    %slice3A_23 = vector.extract_strided_slice %bitcast_convert_type3A_22 {offsets = [1024, 0], sizes = [1024, 1152], strides = [1, 1]} : vector<2048x1152xf32> to vector<1024x1152xf32>
    %min3A = arith.minimumf %slice3A, %slice3A_23 : vector<1024x1152xf32>
    %max3A = arith.maximumf %slice3A, %slice3A_23 : vector<1024x1152xf32>
    %reduce_min3A = arith.constant dense<0x7F800000> : vector<1152xf32>
    %reduce_min3A_24 = vector.multi_reduction <minimumf>, %min3A, %reduce_min3A [0] : vector<1024x1152xf32> to vector<1152xf32>
    %broadcast_in_dim3A_25 = vector.shape_cast %reduce_min3A_24 : vector<1152xf32> to vector<1x1152xf32>
    %eq3A = vector.broadcast %broadcast_in_dim3A_25 : vector<1x1152xf32> to vector<1024x1152xf32>
    %eq3A_26 = arith.cmpf oeq, %min3A, %eq3A : vector<1024x1152xf32>
    %bitcast_convert_type3A_27 = tpu.bitcast %broadcast_in_dim3A_25 : vector<1x1152xf32> -> vector<1x1152xi32>
    %and3A_28 = arith.constant -2048 : i32
    %and3A_29 = vector.broadcast %and3A_28 : i32 to vector<1x1152xi32>
    %and3A_30 = arith.andi %bitcast_convert_type3A_27, %and3A_29 : vector<1x1152xi32>
    %bitcast_convert_type3A_31 = tpu.bitcast %and3A_30 : vector<1x1152xi32> -> vector<1x1152xf32>
    %max3A_32 = arith.constant 0.000000e+00 : f32
    %max3A_33 = vector.broadcast %max3A_32 : f32 to vector<1x1152xf32>
    %max3A_34 = arith.maximumf %bitcast_convert_type3A_31, %max3A_33 : vector<1x1152xf32>
    %sqrt3A = math.sqrt %max3A_34 : vector<1x1152xf32>
    %add3A_35 = arith.constant 9.99999993E-9 : f32
    %add3A_36 = vector.broadcast %add3A_35 : f32 to vector<1x1152xf32>
    %add3A_37 = arith.addf %sqrt3A, %add3A_36 : vector<1x1152xf32>
    %square3A = arith.mulf %add3A_37, %add3A_37 : vector<1x1152xf32>
    %div3A = arith.constant 1.000000e+00 : f32
    %div3A_38 = vector.broadcast %div3A : f32 to vector<1x1152xf32>
    %div3A_39 = arith.divf %div3A_38, %square3A : vector<1x1152xf32>
    %and3A_40 = arith.constant 2047 : i32
    %and3A_41 = vector.broadcast %and3A_40 : i32 to vector<1x1152xi32>
    %and3A_42 = arith.andi %bitcast_convert_type3A_27, %and3A_41 : vector<1x1152xi32>
    %swap3A = arith.constant 0 : index
    %swap3A_43 = arith.constant 0 : index
    %swap3A_44 = arith.constant 0 : index
    %swap3A_45 = vector.load %arg4[%swap3A, %swap3A_43, %swap3A_44] : memref<1x8x1152xi32, #tpu.memory_space<vmem>>, vector<1x1x1152xi32>
    %swap3A_46 = vector.shape_cast %swap3A_45 : vector<1x1x1152xi32> to vector<1x1152xi32>
    %swap3A_47 = vector.shape_cast %and3A_42 : vector<1x1152xi32> to vector<1x1x1152xi32>
    tpu.vector_store %arg4[%swap3A, %swap3A_43, %swap3A_44], %swap3A_47 {strides = array<i32>} : memref<1x8x1152xi32, #tpu.memory_space<vmem>>, vector<1x1x1152xi32>,
    %swap3A_48 = arith.constant 0 : index
    %swap3A_49 = arith.constant 0 : index
    %swap3A_50 = arith.constant 0 : index
    %swap3A_51 = vector.load %arg5[%swap3A_48, %swap3A_49, %swap3A_50] : memref<1x8x1152xf32, #tpu.memory_space<vmem>>, vector<1x1x1152xf32>
    %swap3A_52 = vector.shape_cast %swap3A_51 : vector<1x1x1152xf32> to vector<1x1152xf32>
    %swap3A_53 = vector.shape_cast %div3A_39 : vector<1x1152xf32> to vector<1x1x1152xf32>
    tpu.vector_store %arg5[%swap3A_48, %swap3A_49, %swap3A_50], %swap3A_53 {strides = array<i32>} : memref<1x8x1152xf32, #tpu.memory_space<vmem>>, vector<1x1x1152xf32>,
    %select_n3A = arith.select %eq3A_26, %max3A, %min3A : vector<1024x1152xi1>, vector<1024x1152xf32>
    %jit3A = arith.constant 0x7F800000 : f32
    %broadcast_in_dim3A_54 = vector.broadcast %jit3A : f32 to vector<1024x1152xf32>
    %select_n3A_55 = arith.select %eq3A_26, %broadcast_in_dim3A_54, %max3A : vector<1024x1152xi1>, vector<1024x1152xf32>
    %reduce_min3A_56 = arith.constant dense<0x7F800000> : vector<1152xf32>
    %reduce_min3A_57 = vector.multi_reduction <minimumf>, %select_n3A, %reduce_min3A_56 [0] : vector<1024x1152xf32> to vector<1152xf32>
    %broadcast_in_dim3A_58 = vector.shape_cast %reduce_min3A_57 : vector<1152xf32> to vector<1x1152xf32>
    %eq3A_59 = vector.broadcast %broadcast_in_dim3A_58 : vector<1x1152xf32> to vector<1024x1152xf32>
    %eq3A_60 = arith.cmpf oeq, %select_n3A, %eq3A_59 : vector<1024x1152xf32>
    %bitcast_convert_type3A_61 = tpu.bitcast %broadcast_in_dim3A_58 : vector<1x1152xf32> -> vector<1x1152xi32>
    %and3A_62 = arith.constant -2048 : i32
    %and3A_63 = vector.broadcast %and3A_62 : i32 to vector<1x1152xi32>
    %and3A_64 = arith.andi %bitcast_convert_type3A_61, %and3A_63 : vector<1x1152xi32>
    %bitcast_convert_type3A_65 = tpu.bitcast %and3A_64 : vector<1x1152xi32> -> vector<1x1152xf32>
    %max3A_66 = arith.constant 0.000000e+00 : f32
    %max3A_67 = vector.broadcast %max3A_66 : f32 to vector<1x1152xf32>
    %max3A_68 = arith.maximumf %bitcast_convert_type3A_65, %max3A_67 : vector<1x1152xf32>
    %sqrt3A_69 = math.sqrt %max3A_68 : vector<1x1152xf32>
    %add3A_70 = arith.constant 9.99999993E-9 : f32
    %add3A_71 = vector.broadcast %add3A_70 : f32 to vector<1x1152xf32>
    %add3A_72 = arith.addf %sqrt3A_69, %add3A_71 : vector<1x1152xf32>
    %square3A_73 = arith.mulf %add3A_72, %add3A_72 : vector<1x1152xf32>
    %div3A_74 = arith.constant 1.000000e+00 : f32
    %div3A_75 = vector.broadcast %div3A_74 : f32 to vector<1x1152xf32>
    %div3A_76 = arith.divf %div3A_75, %square3A_73 : vector<1x1152xf32>
    %and3A_77 = arith.constant 2047 : i32
    %and3A_78 = vector.broadcast %and3A_77 : i32 to vector<1x1152xi32>
    %and3A_79 = arith.andi %bitcast_convert_type3A_61, %and3A_78 : vector<1x1152xi32>
    %swap3A_80 = arith.constant 0 : index
    %swap3A_81 = arith.constant 1 : index
    %swap3A_82 = arith.constant 0 : index
    %swap3A_83 = vector.load %arg4[%swap3A_80, %swap3A_81, %swap3A_82] : memref<1x8x1152xi32, #tpu.memory_space<vmem>>, vector<1x1x1152xi32>
    %swap3A_84 = vector.shape_cast %swap3A_83 : vector<1x1x1152xi32> to vector<1x1152xi32>
    %swap3A_85 = vector.shape_cast %and3A_79 : vector<1x1152xi32> to vector<1x1x1152xi32>
    tpu.vector_store %arg4[%swap3A_80, %swap3A_81, %swap3A_82], %swap3A_85 {strides = array<i32>} : memref<1x8x1152xi32, #tpu.memory_space<vmem>>, vector<1x1x1152xi32>,
    %swap3A_86 = arith.constant 0 : index
    %swap3A_87 = arith.constant 1 : index
    %swap3A_88 = arith.constant 0 : index
    %swap3A_89 = vector.load %arg5[%swap3A_86, %swap3A_87, %swap3A_88] : memref<1x8x1152xf32, #tpu.memory_space<vmem>>, vector<1x1x1152xf32>
    %swap3A_90 = vector.shape_cast %swap3A_89 : vector<1x1x1152xf32> to vector<1x1152xf32>
    %swap3A_91 = vector.shape_cast %div3A_76 : vector<1x1152xf32> to vector<1x1x1152xf32>
    tpu.vector_store %arg5[%swap3A_86, %swap3A_87, %swap3A_88], %swap3A_91 {strides = array<i32>} : memref<1x8x1152xf32, #tpu.memory_space<vmem>>, vector<1x1x1152xf32>,
    %select_n3A_92 = arith.select %eq3A_60, %select_n3A_55, %select_n3A : vector<1024x1152xi1>, vector<1024x1152xf32>
    %jit3A_93 = arith.constant 0x7F800000 : f32
    %broadcast_in_dim3A_94 = vector.broadcast %jit3A_93 : f32 to vector<1024x1152xf32>
    %select_n3A_95 = arith.select %eq3A_60, %broadcast_in_dim3A_94, %select_n3A_55 : vector<1024x1152xi1>, vector<1024x1152xf32>
    %reduce_min3A_96 = arith.constant dense<0x7F800000> : vector<1152xf32>
    %reduce_min3A_97 = vector.multi_reduction <minimumf>, %select_n3A_92, %reduce_min3A_96 [0] : vector<1024x1152xf32> to vector<1152xf32>
    %broadcast_in_dim3A_98 = vector.shape_cast %reduce_min3A_97 : vector<1152xf32> to vector<1x1152xf32>
    %eq3A_99 = vector.broadcast %broadcast_in_dim3A_98 : vector<1x1152xf32> to vector<1024x1152xf32>
    %eq3A_100 = arith.cmpf oeq, %select_n3A_92, %eq3A_99 : vector<1024x1152xf32>
    %bitcast_convert_type3A_101 = tpu.bitcast %broadcast_in_dim3A_98 : vector<1x1152xf32> -> vector<1x1152xi32>
    %and3A_102 = arith.constant -2048 : i32
    %and3A_103 = vector.broadcast %and3A_102 : i32 to vector<1x1152xi32>
    %and3A_104 = arith.andi %bitcast_convert_type3A_101, %and3A_103 : vector<1x1152xi32>
    %bitcast_convert_type3A_105 = tpu.bitcast %and3A_104 : vector<1x1152xi32> -> vector<1x1152xf32>
    %max3A_106 = arith.constant 0.000000e+00 : f32
    %max3A_107 = vector.broadcast %max3A_106 : f32 to vector<1x1152xf32>
    %max3A_108 = arith.maximumf %bitcast_convert_type3A_105, %max3A_107 : vector<1x1152xf32>
    %sqrt3A_109 = math.sqrt %max3A_108 : vector<1x1152xf32>
    %add3A_110 = arith.constant 9.99999993E-9 : f32
    %add3A_111 = vector.broadcast %add3A_110 : f32 to vector<1x1152xf32>
    %add3A_112 = arith.addf %sqrt3A_109, %add3A_111 : vector<1x1152xf32>
    %square3A_113 = arith.mulf %add3A_112, %add3A_112 : vector<1x1152xf32>
    %div3A_114 = arith.constant 1.000000e+00 : f32
    %div3A_115 = vector.broadcast %div3A_114 : f32 to vector<1x1152xf32>
    %div3A_116 = arith.divf %div3A_115, %square3A_113 : vector<1x1152xf32>
    %and3A_117 = arith.constant 2047 : i32
    %and3A_118 = vector.broadcast %and3A_117 : i32 to vector<1x1152xi32>
    %and3A_119 = arith.andi %bitcast_convert_type3A_101, %and3A_118 : vector<1x1152xi32>
    %swap3A_120 = arith.constant 0 : index
    %swap3A_121 = arith.constant 2 : index
    %swap3A_122 = arith.constant 0 : index
    %swap3A_123 = vector.load %arg4[%swap3A_120, %swap3A_121, %swap3A_122] : memref<1x8x1152xi32, #tpu.memory_space<vmem>>, vector<1x1x1152xi32>
    %swap3A_124 = vector.shape_cast %swap3A_123 : vector<1x1x1152xi32> to vector<1x1152xi32>
    %swap3A_125 = vector.shape_cast %and3A_119 : vector<1x1152xi32> to vector<1x1x1152xi32>
    tpu.vector_store %arg4[%swap3A_120, %swap3A_121, %swap3A_122], %swap3A_125 {strides = array<i32>} : memref<1x8x1152xi32, #tpu.memory_space<vmem>>, vector<1x1x1152xi32>,
    %swap3A_126 = arith.constant 0 : index
    %swap3A_127 = arith.constant 2 : index
    %swap3A_128 = arith.constant 0 : index
    %swap3A_129 = vector.load %arg5[%swap3A_126, %swap3A_127, %swap3A_128] : memref<1x8x1152xf32, #tpu.memory_space<vmem>>, vector<1x1x1152xf32>
    %swap3A_130 = vector.shape_cast %swap3A_129 : vector<1x1x1152xf32> to vector<1x1152xf32>
    %swap3A_131 = vector.shape_cast %div3A_116 : vector<1x1152xf32> to vector<1x1x1152xf32>
    tpu.vector_store %arg5[%swap3A_126, %swap3A_127, %swap3A_128], %swap3A_131 {strides = array<i32>} : memref<1x8x1152xf32, #tpu.memory_space<vmem>>, vector<1x1x1152xf32>,
    %select_n3A_132 = arith.select %eq3A_100, %select_n3A_95, %select_n3A_92 : vector<1024x1152xi1>, vector<1024x1152xf32>
    %jit3A_133 = arith.constant 0x7F800000 : f32
    %broadcast_in_dim3A_134 = vector.broadcast %jit3A_133 : f32 to vector<1024x1152xf32>
    %select_n3A_135 = arith.select %eq3A_100, %broadcast_in_dim3A_134, %select_n3A_95 : vector<1024x1152xi1>, vector<1024x1152xf32>
    %reduce_min3A_136 = arith.constant dense<0x7F800000> : vector<1152xf32>
    %reduce_min3A_137 = vector.multi_reduction <minimumf>, %select_n3A_132, %reduce_min3A_136 [0] : vector<1024x1152xf32> to vector<1152xf32>
    %broadcast_in_dim3A_138 = vector.shape_cast %reduce_min3A_137 : vector<1152xf32> to vector<1x1152xf32>
    %eq3A_139 = vector.broadcast %broadcast_in_dim3A_138 : vector<1x1152xf32> to vector<1024x1152xf32>
    %eq3A_140 = arith.cmpf oeq, %select_n3A_132, %eq3A_139 : vector<1024x1152xf32>
    %bitcast_convert_type3A_141 = tpu.bitcast %broadcast_in_dim3A_138 : vector<1x1152xf32> -> vector<1x1152xi32>
    %and3A_142 = arith.constant -2048 : i32
    %and3A_143 = vector.broadcast %and3A_142 : i32 to vector<1x1152xi32>
    %and3A_144 = arith.andi %bitcast_convert_type3A_141, %and3A_143 : vector<1x1152xi32>
    %bitcast_convert_type3A_145 = tpu.bitcast %and3A_144 : vector<1x1152xi32> -> vector<1x1152xf32>
    %max3A_146 = arith.constant 0.000000e+00 : f32
    %max3A_147 = vector.broadcast %max3A_146 : f32 to vector<1x1152xf32>
    %max3A_148 = arith.maximumf %bitcast_convert_type3A_145, %max3A_147 : vector<1x1152xf32>
    %sqrt3A_149 = math.sqrt %max3A_148 : vector<1x1152xf32>
    %add3A_150 = arith.constant 9.99999993E-9 : f32
    %add3A_151 = vector.broadcast %add3A_150 : f32 to vector<1x1152xf32>
    %add3A_152 = arith.addf %sqrt3A_149, %add3A_151 : vector<1x1152xf32>
    %square3A_153 = arith.mulf %add3A_152, %add3A_152 : vector<1x1152xf32>
    %div3A_154 = arith.constant 1.000000e+00 : f32
    %div3A_155 = vector.broadcast %div3A_154 : f32 to vector<1x1152xf32>
    %div3A_156 = arith.divf %div3A_155, %square3A_153 : vector<1x1152xf32>
    %and3A_157 = arith.constant 2047 : i32
    %and3A_158 = vector.broadcast %and3A_157 : i32 to vector<1x1152xi32>
    %and3A_159 = arith.andi %bitcast_convert_type3A_141, %and3A_158 : vector<1x1152xi32>
    %swap3A_160 = arith.constant 0 : index
    %swap3A_161 = arith.constant 3 : index
    %swap3A_162 = arith.constant 0 : index
    %swap3A_163 = vector.load %arg4[%swap3A_160, %swap3A_161, %swap3A_162] : memref<1x8x1152xi32, #tpu.memory_space<vmem>>, vector<1x1x1152xi32>
    %swap3A_164 = vector.shape_cast %swap3A_163 : vector<1x1x1152xi32> to vector<1x1152xi32>
    %swap3A_165 = vector.shape_cast %and3A_159 : vector<1x1152xi32> to vector<1x1x1152xi32>
    tpu.vector_store %arg4[%swap3A_160, %swap3A_161, %swap3A_162], %swap3A_165 {strides = array<i32>} : memref<1x8x1152xi32, #tpu.memory_space<vmem>>, vector<1x1x1152xi32>,
    %swap3A_166 = arith.constant 0 : index
    %swap3A_167 = arith.constant 3 : index
    %swap3A_168 = arith.constant 0 : index
    %swap3A_169 = vector.load %arg5[%swap3A_166, %swap3A_167, %swap3A_168] : memref<1x8x1152xf32, #tpu.memory_space<vmem>>, vector<1x1x1152xf32>
    %swap3A_170 = vector.shape_cast %swap3A_169 : vector<1x1x1152xf32> to vector<1x1152xf32>
    %swap3A_171 = vector.shape_cast %div3A_156 : vector<1x1152xf32> to vector<1x1x1152xf32>
    tpu.vector_store %arg5[%swap3A_166, %swap3A_167, %swap3A_168], %swap3A_171 {strides = array<i32>} : memref<1x8x1152xf32, #tpu.memory_space<vmem>>, vector<1x1x1152xf32>,
    %select_n3A_172 = arith.select %eq3A_140, %select_n3A_135, %select_n3A_132 : vector<1024x1152xi1>, vector<1024x1152xf32>
    %jit3A_173 = arith.constant 0x7F800000 : f32
    %broadcast_in_dim3A_174 = vector.broadcast %jit3A_173 : f32 to vector<1024x1152xf32>
    %select_n3A_175 = arith.select %eq3A_140, %broadcast_in_dim3A_174, %select_n3A_135 : vector<1024x1152xi1>, vector<1024x1152xf32>
    %reduce_min3A_176 = arith.constant dense<0x7F800000> : vector<1152xf32>
    %reduce_min3A_177 = vector.multi_reduction <minimumf>, %select_n3A_172, %reduce_min3A_176 [0] : vector<1024x1152xf32> to vector<1152xf32>
    %broadcast_in_dim3A_178 = vector.shape_cast %reduce_min3A_177 : vector<1152xf32> to vector<1x1152xf32>
    %eq3A_179 = vector.broadcast %broadcast_in_dim3A_178 : vector<1x1152xf32> to vector<1024x1152xf32>
    %eq3A_180 = arith.cmpf oeq, %select_n3A_172, %eq3A_179 : vector<1024x1152xf32>
    %bitcast_convert_type3A_181 = tpu.bitcast %broadcast_in_dim3A_178 : vector<1x1152xf32> -> vector<1x1152xi32>
    %and3A_182 = arith.constant -2048 : i32
    %and3A_183 = vector.broadcast %and3A_182 : i32 to vector<1x1152xi32>
    %and3A_184 = arith.andi %bitcast_convert_type3A_181, %and3A_183 : vector<1x1152xi32>
    %bitcast_convert_type3A_185 = tpu.bitcast %and3A_184 : vector<1x1152xi32> -> vector<1x1152xf32>
    %max3A_186 = arith.constant 0.000000e+00 : f32
    %max3A_187 = vector.broadcast %max3A_186 : f32 to vector<1x1152xf32>
    %max3A_188 = arith.maximumf %bitcast_convert_type3A_185, %max3A_187 : vector<1x1152xf32>
    %sqrt3A_189 = math.sqrt %max3A_188 : vector<1x1152xf32>
    %add3A_190 = arith.constant 9.99999993E-9 : f32
    %add3A_191 = vector.broadcast %add3A_190 : f32 to vector<1x1152xf32>
    %add3A_192 = arith.addf %sqrt3A_189, %add3A_191 : vector<1x1152xf32>
    %square3A_193 = arith.mulf %add3A_192, %add3A_192 : vector<1x1152xf32>
    %div3A_194 = arith.constant 1.000000e+00 : f32
    %div3A_195 = vector.broadcast %div3A_194 : f32 to vector<1x1152xf32>
    %div3A_196 = arith.divf %div3A_195, %square3A_193 : vector<1x1152xf32>
    %and3A_197 = arith.constant 2047 : i32
    %and3A_198 = vector.broadcast %and3A_197 : i32 to vector<1x1152xi32>
    %and3A_199 = arith.andi %bitcast_convert_type3A_181, %and3A_198 : vector<1x1152xi32>
    %swap3A_200 = arith.constant 0 : index
    %swap3A_201 = arith.constant 4 : index
    %swap3A_202 = arith.constant 0 : index
    %swap3A_203 = vector.load %arg4[%swap3A_200, %swap3A_201, %swap3A_202] : memref<1x8x1152xi32, #tpu.memory_space<vmem>>, vector<1x1x1152xi32>
    %swap3A_204 = vector.shape_cast %swap3A_203 : vector<1x1x1152xi32> to vector<1x1152xi32>
    %swap3A_205 = vector.shape_cast %and3A_199 : vector<1x1152xi32> to vector<1x1x1152xi32>
    tpu.vector_store %arg4[%swap3A_200, %swap3A_201, %swap3A_202], %swap3A_205 {strides = array<i32>} : memref<1x8x1152xi32, #tpu.memory_space<vmem>>, vector<1x1x1152xi32>,
    %swap3A_206 = arith.constant 0 : index
    %swap3A_207 = arith.constant 4 : index
    %swap3A_208 = arith.constant 0 : index
    %swap3A_209 = vector.load %arg5[%swap3A_206, %swap3A_207, %swap3A_208] : memref<1x8x1152xf32, #tpu.memory_space<vmem>>, vector<1x1x1152xf32>
    %swap3A_210 = vector.shape_cast %swap3A_209 : vector<1x1x1152xf32> to vector<1x1152xf32>
    %swap3A_211 = vector.shape_cast %div3A_196 : vector<1x1152xf32> to vector<1x1x1152xf32>
    tpu.vector_store %arg5[%swap3A_206, %swap3A_207, %swap3A_208], %swap3A_211 {strides = array<i32>} : memref<1x8x1152xf32, #tpu.memory_space<vmem>>, vector<1x1x1152xf32>,
    %select_n3A_212 = arith.select %eq3A_180, %select_n3A_175, %select_n3A_172 : vector<1024x1152xi1>, vector<1024x1152xf32>
    %jit3A_213 = arith.constant 0x7F800000 : f32
    %broadcast_in_dim3A_214 = vector.broadcast %jit3A_213 : f32 to vector<1024x1152xf32>
    %select_n3A_215 = arith.select %eq3A_180, %broadcast_in_dim3A_214, %select_n3A_175 : vector<1024x1152xi1>, vector<1024x1152xf32>
    %reduce_min3A_216 = arith.constant dense<0x7F800000> : vector<1152xf32>
    %reduce_min3A_217 = vector.multi_reduction <minimumf>, %select_n3A_212, %reduce_min3A_216 [0] : vector<1024x1152xf32> to vector<1152xf32>
    %broadcast_in_dim3A_218 = vector.shape_cast %reduce_min3A_217 : vector<1152xf32> to vector<1x1152xf32>
    %eq3A_219 = vector.broadcast %broadcast_in_dim3A_218 : vector<1x1152xf32> to vector<1024x1152xf32>
    %eq3A_220 = arith.cmpf oeq, %select_n3A_212, %eq3A_219 : vector<1024x1152xf32>
    %bitcast_convert_type3A_221 = tpu.bitcast %broadcast_in_dim3A_218 : vector<1x1152xf32> -> vector<1x1152xi32>
    %and3A_222 = arith.constant -2048 : i32
    %and3A_223 = vector.broadcast %and3A_222 : i32 to vector<1x1152xi32>
    %and3A_224 = arith.andi %bitcast_convert_type3A_221, %and3A_223 : vector<1x1152xi32>
    %bitcast_convert_type3A_225 = tpu.bitcast %and3A_224 : vector<1x1152xi32> -> vector<1x1152xf32>
    %max3A_226 = arith.constant 0.000000e+00 : f32
    %max3A_227 = vector.broadcast %max3A_226 : f32 to vector<1x1152xf32>
    %max3A_228 = arith.maximumf %bitcast_convert_type3A_225, %max3A_227 : vector<1x1152xf32>
    %sqrt3A_229 = math.sqrt %max3A_228 : vector<1x1152xf32>
    %add3A_230 = arith.constant 9.99999993E-9 : f32
    %add3A_231 = vector.broadcast %add3A_230 : f32 to vector<1x1152xf32>
    %add3A_232 = arith.addf %sqrt3A_229, %add3A_231 : vector<1x1152xf32>
    %square3A_233 = arith.mulf %add3A_232, %add3A_232 : vector<1x1152xf32>
    %div3A_234 = arith.constant 1.000000e+00 : f32
    %div3A_235 = vector.broadcast %div3A_234 : f32 to vector<1x1152xf32>
    %div3A_236 = arith.divf %div3A_235, %square3A_233 : vector<1x1152xf32>
    %and3A_237 = arith.constant 2047 : i32
    %and3A_238 = vector.broadcast %and3A_237 : i32 to vector<1x1152xi32>
    %and3A_239 = arith.andi %bitcast_convert_type3A_221, %and3A_238 : vector<1x1152xi32>
    %swap3A_240 = arith.constant 0 : index
    %swap3A_241 = arith.constant 5 : index
    %swap3A_242 = arith.constant 0 : index
    %swap3A_243 = vector.load %arg4[%swap3A_240, %swap3A_241, %swap3A_242] : memref<1x8x1152xi32, #tpu.memory_space<vmem>>, vector<1x1x1152xi32>
    %swap3A_244 = vector.shape_cast %swap3A_243 : vector<1x1x1152xi32> to vector<1x1152xi32>
    %swap3A_245 = vector.shape_cast %and3A_239 : vector<1x1152xi32> to vector<1x1x1152xi32>
    tpu.vector_store %arg4[%swap3A_240, %swap3A_241, %swap3A_242], %swap3A_245 {strides = array<i32>} : memref<1x8x1152xi32, #tpu.memory_space<vmem>>, vector<1x1x1152xi32>,
    %swap3A_246 = arith.constant 0 : index
    %swap3A_247 = arith.constant 5 : index
    %swap3A_248 = arith.constant 0 : index
    %swap3A_249 = vector.load %arg5[%swap3A_246, %swap3A_247, %swap3A_248] : memref<1x8x1152xf32, #tpu.memory_space<vmem>>, vector<1x1x1152xf32>
    %swap3A_250 = vector.shape_cast %swap3A_249 : vector<1x1x1152xf32> to vector<1x1152xf32>
    %swap3A_251 = vector.shape_cast %div3A_236 : vector<1x1152xf32> to vector<1x1x1152xf32>
    tpu.vector_store %arg5[%swap3A_246, %swap3A_247, %swap3A_248], %swap3A_251 {strides = array<i32>} : memref<1x8x1152xf32, #tpu.memory_space<vmem>>, vector<1x1x1152xf32>,
    %select_n3A_252 = arith.select %eq3A_220, %select_n3A_215, %select_n3A_212 : vector<1024x1152xi1>, vector<1024x1152xf32>
    %jit3A_253 = arith.constant 0x7F800000 : f32
    %broadcast_in_dim3A_254 = vector.broadcast %jit3A_253 : f32 to vector<1024x1152xf32>
    %select_n3A_255 = arith.select %eq3A_220, %broadcast_in_dim3A_254, %select_n3A_215 : vector<1024x1152xi1>, vector<1024x1152xf32>
    %reduce_min3A_256 = arith.constant dense<0x7F800000> : vector<1152xf32>
    %reduce_min3A_257 = vector.multi_reduction <minimumf>, %select_n3A_252, %reduce_min3A_256 [0] : vector<1024x1152xf32> to vector<1152xf32>
    %broadcast_in_dim3A_258 = vector.shape_cast %reduce_min3A_257 : vector<1152xf32> to vector<1x1152xf32>
    %eq3A_259 = vector.broadcast %broadcast_in_dim3A_258 : vector<1x1152xf32> to vector<1024x1152xf32>
    %eq3A_260 = arith.cmpf oeq, %select_n3A_252, %eq3A_259 : vector<1024x1152xf32>
    %bitcast_convert_type3A_261 = tpu.bitcast %broadcast_in_dim3A_258 : vector<1x1152xf32> -> vector<1x1152xi32>
    %and3A_262 = arith.constant -2048 : i32
    %and3A_263 = vector.broadcast %and3A_262 : i32 to vector<1x1152xi32>
    %and3A_264 = arith.andi %bitcast_convert_type3A_261, %and3A_263 : vector<1x1152xi32>
    %bitcast_convert_type3A_265 = tpu.bitcast %and3A_264 : vector<1x1152xi32> -> vector<1x1152xf32>
    %max3A_266 = arith.constant 0.000000e+00 : f32
    %max3A_267 = vector.broadcast %max3A_266 : f32 to vector<1x1152xf32>
    %max3A_268 = arith.maximumf %bitcast_convert_type3A_265, %max3A_267 : vector<1x1152xf32>
    %sqrt3A_269 = math.sqrt %max3A_268 : vector<1x1152xf32>
    %add3A_270 = arith.constant 9.99999993E-9 : f32
    %add3A_271 = vector.broadcast %add3A_270 : f32 to vector<1x1152xf32>
    %add3A_272 = arith.addf %sqrt3A_269, %add3A_271 : vector<1x1152xf32>
    %square3A_273 = arith.mulf %add3A_272, %add3A_272 : vector<1x1152xf32>
    %div3A_274 = arith.constant 1.000000e+00 : f32
    %div3A_275 = vector.broadcast %div3A_274 : f32 to vector<1x1152xf32>
    %div3A_276 = arith.divf %div3A_275, %square3A_273 : vector<1x1152xf32>
    %and3A_277 = arith.constant 2047 : i32
    %and3A_278 = vector.broadcast %and3A_277 : i32 to vector<1x1152xi32>
    %and3A_279 = arith.andi %bitcast_convert_type3A_261, %and3A_278 : vector<1x1152xi32>
    %swap3A_280 = arith.constant 0 : index
    %swap3A_281 = arith.constant 6 : index
    %swap3A_282 = arith.constant 0 : index
    %swap3A_283 = vector.load %arg4[%swap3A_280, %swap3A_281, %swap3A_282] : memref<1x8x1152xi32, #tpu.memory_space<vmem>>, vector<1x1x1152xi32>
    %swap3A_284 = vector.shape_cast %swap3A_283 : vector<1x1x1152xi32> to vector<1x1152xi32>
    %swap3A_285 = vector.shape_cast %and3A_279 : vector<1x1152xi32> to vector<1x1x1152xi32>
    tpu.vector_store %arg4[%swap3A_280, %swap3A_281, %swap3A_282], %swap3A_285 {strides = array<i32>} : memref<1x8x1152xi32, #tpu.memory_space<vmem>>, vector<1x1x1152xi32>,
    %swap3A_286 = arith.constant 0 : index
    %swap3A_287 = arith.constant 6 : index
    %swap3A_288 = arith.constant 0 : index
    %swap3A_289 = vector.load %arg5[%swap3A_286, %swap3A_287, %swap3A_288] : memref<1x8x1152xf32, #tpu.memory_space<vmem>>, vector<1x1x1152xf32>
    %swap3A_290 = vector.shape_cast %swap3A_289 : vector<1x1x1152xf32> to vector<1x1152xf32>
    %swap3A_291 = vector.shape_cast %div3A_276 : vector<1x1152xf32> to vector<1x1x1152xf32>
    tpu.vector_store %arg5[%swap3A_286, %swap3A_287, %swap3A_288], %swap3A_291 {strides = array<i32>} : memref<1x8x1152xf32, #tpu.memory_space<vmem>>, vector<1x1x1152xf32>,
    %select_n3A_292 = arith.select %eq3A_260, %select_n3A_255, %select_n3A_252 : vector<1024x1152xi1>, vector<1024x1152xf32>
    %reduce_min3A_293 = arith.constant dense<0x7F800000> : vector<1152xf32>
    %reduce_min3A_294 = vector.multi_reduction <minimumf>, %select_n3A_292, %reduce_min3A_293 [0] : vector<1024x1152xf32> to vector<1152xf32>
    %broadcast_in_dim3A_295 = vector.shape_cast %reduce_min3A_294 : vector<1152xf32> to vector<1x1152xf32>
    %bitcast_convert_type3A_296 = tpu.bitcast %broadcast_in_dim3A_295 : vector<1x1152xf32> -> vector<1x1152xi32>
    %and3A_297 = arith.constant -2048 : i32
    %and3A_298 = vector.broadcast %and3A_297 : i32 to vector<1x1152xi32>
    %and3A_299 = arith.andi %bitcast_convert_type3A_296, %and3A_298 : vector<1x1152xi32>
    %bitcast_convert_type3A_300 = tpu.bitcast %and3A_299 : vector<1x1152xi32> -> vector<1x1152xf32>
    %max3A_301 = arith.constant 0.000000e+00 : f32
    %max3A_302 = vector.broadcast %max3A_301 : f32 to vector<1x1152xf32>
    %max3A_303 = arith.maximumf %bitcast_convert_type3A_300, %max3A_302 : vector<1x1152xf32>
    %sqrt3A_304 = math.sqrt %max3A_303 : vector<1x1152xf32>
    %add3A_305 = arith.constant 9.99999993E-9 : f32
    %add3A_306 = vector.broadcast %add3A_305 : f32 to vector<1x1152xf32>
    %add3A_307 = arith.addf %sqrt3A_304, %add3A_306 : vector<1x1152xf32>
    %square3A_308 = arith.mulf %add3A_307, %add3A_307 : vector<1x1152xf32>
    %div3A_309 = arith.constant 1.000000e+00 : f32
    %div3A_310 = vector.broadcast %div3A_309 : f32 to vector<1x1152xf32>
    %div3A_311 = arith.divf %div3A_310, %square3A_308 : vector<1x1152xf32>
    %and3A_312 = arith.constant 2047 : i32
    %and3A_313 = vector.broadcast %and3A_312 : i32 to vector<1x1152xi32>
    %and3A_314 = arith.andi %bitcast_convert_type3A_296, %and3A_313 : vector<1x1152xi32>
    %swap3A_315 = arith.constant 0 : index
    %swap3A_316 = arith.constant 7 : index
    %swap3A_317 = arith.constant 0 : index
    %swap3A_318 = vector.load %arg4[%swap3A_315, %swap3A_316, %swap3A_317] : memref<1x8x1152xi32, #tpu.memory_space<vmem>>, vector<1x1x1152xi32>
    %swap3A_319 = vector.shape_cast %swap3A_318 : vector<1x1x1152xi32> to vector<1x1152xi32>
    %swap3A_320 = vector.shape_cast %and3A_314 : vector<1x1152xi32> to vector<1x1x1152xi32>
    tpu.vector_store %arg4[%swap3A_315, %swap3A_316, %swap3A_317], %swap3A_320 {strides = array<i32>} : memref<1x8x1152xi32, #tpu.memory_space<vmem>>, vector<1x1x1152xi32>,
    %swap3A_321 = arith.constant 0 : index
    %swap3A_322 = arith.constant 7 : index
    %swap3A_323 = arith.constant 0 : index
    %swap3A_324 = vector.load %arg5[%swap3A_321, %swap3A_322, %swap3A_323] : memref<1x8x1152xf32, #tpu.memory_space<vmem>>, vector<1x1x1152xf32>
    %swap3A_325 = vector.shape_cast %swap3A_324 : vector<1x1x1152xf32> to vector<1x1152xf32>
    %swap3A_326 = vector.shape_cast %div3A_311 : vector<1x1152xf32> to vector<1x1x1152xf32>
    tpu.vector_store %arg5[%swap3A_321, %swap3A_322, %swap3A_323], %swap3A_326 {strides = array<i32>} : memref<1x8x1152xf32, #tpu.memory_space<vmem>>, vector<1x1x1152xf32>,
    return
  }
  func.func @transform_0(%arg0: i32, %arg1: i32) -> (i32, i32, i32) {
    %c0_i32 = arith.constant 0 : i32
    %c0_i32_0 = arith.constant 0 : i32
    %c0_i32_1 = arith.constant 0 : i32
    return %arg0, %c0_i32, %c0_i32_0 : i32, i32, i32
  }
  func.func @transform_1(%arg0: i32, %arg1: i32) -> (i32, i32, i32) {
    %c0_i32 = arith.constant 0 : i32
    %c0_i32_0 = arith.constant 0 : i32
    return %arg0, %c0_i32, %arg1 : i32, i32, i32
  }
  func.func @transform_2(%arg0: i32, %arg1: i32) -> (i32, i32, i32) {
    %c0_i32 = arith.constant 0 : i32
    %c0_i32_0 = arith.constant 0 : i32
    return %arg0, %c0_i32, %arg1 : i32, i32, i32
  }
  func.func @transform_3(%arg0: i32, %arg1: i32) -> (i32, i32, i32) {
    %c0_i32 = arith.constant 0 : i32
    %c0_i32_0 = arith.constant 0 : i32
    return %arg0, %c0_i32, %arg1 : i32, i32, i32
  }
}

module attributes {stable_mosaic.version = 14 : i64} {
  func.func @_div_kernel(%arg0: memref<1152x24xf32, #tpu.memory_space<vmem>>, %arg1: memref<1152x24xf32, #tpu.memory_space<vmem>>, %arg2: memref<1152x24xf32, #tpu.memory_space<vmem>>, %arg3: memref<1x1xf32, #tpu.memory_space<vmem>>) attributes {dimension_semantics = [], scalar_prefetch = 0 : i64, scratch_operands = 0 : i64, tpu.core_type = #tpu.core_type<tc>} {
    %get3A = arith.constant 0 : index
    %get3A_0 = arith.constant 0 : index
    %get3A_1 = vector.load %arg0[%get3A, %get3A_0] : memref<1152x24xf32, #tpu.memory_space<vmem>>, vector<1152x24xf32>
    %get3A_2 = arith.constant 0 : index
    %get3A_3 = arith.constant 0 : index
    %get3A_4 = vector.load %arg1[%get3A_2, %get3A_3] : memref<1152x24xf32, #tpu.memory_space<vmem>>, vector<1152x24xf32>
    %get3A_5 = arith.constant 0 : index
    %get3A_6 = arith.constant 0 : index
    %get3A_7 = vector.load %arg2[%get3A_5, %get3A_6] : memref<1152x24xf32, #tpu.memory_space<vmem>>, vector<1152x24xf32>
    %iota3A = tpu.iota {dimensions = array<i32: 0>} : vector<1152x24xi32>
    %jit3A = arith.constant 24 : i32
    %eq3A = arith.constant 0 : i32
    %eq3A_8 = arith.cmpi eq, %jit3A, %eq3A : i32
    %jit3A_9 = arith.constant 1 : i32
    %select_n3A = arith.select %eq3A_8, %jit3A_9, %jit3A : i32
    %rem3A = vector.broadcast %select_n3A : i32 to vector<1152x24xi32>
    %rem3A_10 = arith.remsi %iota3A, %rem3A : vector<1152x24xi32>
    %ne3A = arith.constant 0 : i32
    %ne3A_11 = vector.broadcast %ne3A : i32 to vector<1152x24xi32>
    %ne3A_12 = arith.cmpi ne, %rem3A_10, %ne3A_11 : vector<1152x24xi32>
    %lt3A = arith.constant 0 : i32
    %lt3A_13 = vector.broadcast %lt3A : i32 to vector<1152x24xi32>
    %lt3A_14 = arith.cmpi slt, %rem3A_10, %lt3A_13 : vector<1152x24xi32>
    %lt3A_15 = arith.constant 0 : i32
    %lt3A_16 = arith.cmpi slt, %select_n3A, %lt3A_15 : i32
    %ne3A_17 = vector.broadcast %lt3A_16 : i1 to vector<1152x24xi1>
    %ne3A_18 = vector.broadcast %ne3A_17 : vector<1152x24xi1> to vector<1152x24xi1>
    %ne3A_19 = arith.xori %lt3A_14, %ne3A_18 : vector<1152x24xi1>
    %and3A = arith.andi %ne3A_19, %ne3A_12 : vector<1152x24xi1>
    %add3A = vector.broadcast %select_n3A : i32 to vector<1152x24xi32>
    %add3A_20 = arith.addi %rem3A_10, %add3A : vector<1152x24xi32>
    %select_n3A_21 = arith.select %and3A, %add3A_20, %rem3A_10 : vector<1152x24xi1>, vector<1152x24xi32>
    %jit3A_22 = arith.constant 24 : i32
    %div3A = vector.broadcast %jit3A_22 : i32 to vector<1152x24xi32>
    %div3A_23 = arith.divsi %iota3A, %div3A : vector<1152x24xi32>
    %sign3A = arith.constant 0 : i32
    %sign3A_24 = vector.broadcast %sign3A : i32 to vector<1152x24xi32>
    %sign3A_25 = arith.cmpi sgt, %iota3A, %sign3A_24 : vector<1152x24xi32>
    %sign3A_26 = arith.extui %sign3A_25 : vector<1152x24xi1> to vector<1152x24xi32>
    %sign3A_27 = arith.constant 0 : i32
    %sign3A_28 = vector.broadcast %sign3A_27 : i32 to vector<1152x24xi32>
    %sign3A_29 = arith.cmpi slt, %iota3A, %sign3A_28 : vector<1152x24xi32>
    %sign3A_30 = arith.extui %sign3A_29 : vector<1152x24xi1> to vector<1152x24xi32>
    %sign3A_31 = arith.subi %sign3A_26, %sign3A_30 : vector<1152x24xi32>
    %sign3A_32 = arith.constant 0 : i32
    %sign3A_33 = arith.cmpi sgt, %jit3A_22, %sign3A_32 : i32
    %sign3A_34 = arith.extui %sign3A_33 : i1 to i32
    %sign3A_35 = arith.constant 0 : i32
    %sign3A_36 = arith.cmpi slt, %jit3A_22, %sign3A_35 : i32
    %sign3A_37 = arith.extui %sign3A_36 : i1 to i32
    %sign3A_38 = arith.subi %sign3A_34, %sign3A_37 : i32
    %ne3A_39 = vector.broadcast %sign3A_38 : i32 to vector<1152x24xi32>
    %ne3A_40 = arith.cmpi ne, %sign3A_31, %ne3A_39 : vector<1152x24xi32>
    %rem3A_41 = vector.broadcast %jit3A_22 : i32 to vector<1152x24xi32>
    %rem3A_42 = arith.remsi %iota3A, %rem3A_41 : vector<1152x24xi32>
    %ne3A_43 = arith.constant 0 : i32
    %ne3A_44 = vector.broadcast %ne3A_43 : i32 to vector<1152x24xi32>
    %ne3A_45 = arith.cmpi ne, %rem3A_42, %ne3A_44 : vector<1152x24xi32>
    %and3A_46 = arith.andi %ne3A_40, %ne3A_45 : vector<1152x24xi1>
    %sub3A = arith.constant 1 : i32
    %sub3A_47 = vector.broadcast %sub3A : i32 to vector<1152x24xi32>
    %sub3A_48 = arith.subi %div3A_23, %sub3A_47 : vector<1152x24xi32>
    %select_n3A_49 = arith.select %and3A_46, %sub3A_48, %div3A_23 : vector<1152x24xi1>, vector<1152x24xi32>
    %jit3A_50 = arith.constant 24 : i32
    %eq3A_51 = arith.constant 0 : i32
    %eq3A_52 = arith.cmpi eq, %jit3A_50, %eq3A_51 : i32
    %jit3A_53 = arith.constant 1 : i32
    %select_n3A_54 = arith.select %eq3A_52, %jit3A_53, %jit3A_50 : i32
    %rem3A_55 = vector.broadcast %select_n3A_54 : i32 to vector<1152x24xi32>
    %rem3A_56 = arith.remsi %select_n3A_49, %rem3A_55 : vector<1152x24xi32>
    %ne3A_57 = arith.constant 0 : i32
    %ne3A_58 = vector.broadcast %ne3A_57 : i32 to vector<1152x24xi32>
    %ne3A_59 = arith.cmpi ne, %rem3A_56, %ne3A_58 : vector<1152x24xi32>
    %lt3A_60 = arith.constant 0 : i32
    %lt3A_61 = vector.broadcast %lt3A_60 : i32 to vector<1152x24xi32>
    %lt3A_62 = arith.cmpi slt, %rem3A_56, %lt3A_61 : vector<1152x24xi32>
    %lt3A_63 = arith.constant 0 : i32
    %lt3A_64 = arith.cmpi slt, %select_n3A_54, %lt3A_63 : i32
    %ne3A_65 = vector.broadcast %lt3A_64 : i1 to vector<1152x24xi1>
    %ne3A_66 = vector.broadcast %ne3A_65 : vector<1152x24xi1> to vector<1152x24xi1>
    %ne3A_67 = arith.xori %lt3A_62, %ne3A_66 : vector<1152x24xi1>
    %and3A_68 = arith.andi %ne3A_67, %ne3A_59 : vector<1152x24xi1>
    %add3A_69 = vector.broadcast %select_n3A_54 : i32 to vector<1152x24xi32>
    %add3A_70 = arith.addi %rem3A_56, %add3A_69 : vector<1152x24xi32>
    %select_n3A_71 = arith.select %and3A_68, %add3A_70, %rem3A_56 : vector<1152x24xi1>, vector<1152x24xi32>
    %slice3A = vector.extract_strided_slice %get3A_1 {offsets = [24, 0], sizes = [1128, 24], strides = [1, 1]} : vector<1152x24xf32> to vector<1128x24xf32>
    %slice3A_72 = vector.extract_strided_slice %get3A_1 {offsets = [1128, 0], sizes = [24, 24], strides = [1, 1]} : vector<1152x24xf32> to vector<24x24xf32>
    %concatenate3A = tpu.concatenate %slice3A, %slice3A_72 in 0 : vector<1128x24xf32>, vector<24x24xf32> -> vector<1152x24xf32>
    %slice3A_73 = vector.extract_strided_slice %get3A_1 {offsets = [0, 0], sizes = [24, 24], strides = [1, 1]} : vector<1152x24xf32> to vector<24x24xf32>
    %slice3A_74 = vector.extract_strided_slice %get3A_1 {offsets = [0, 0], sizes = [1128, 24], strides = [1, 1]} : vector<1152x24xf32> to vector<1128x24xf32>
    %concatenate3A_75 = tpu.concatenate %slice3A_73, %slice3A_74 in 0 : vector<24x24xf32>, vector<1128x24xf32> -> vector<1152x24xf32>
    %sub3A_76 = arith.subf %concatenate3A, %concatenate3A_75 : vector<1152x24xf32>
    %div3A_77 = arith.constant 0.52359879 : f32
    %div3A_78 = vector.broadcast %div3A_77 : f32 to vector<1152x24xf32>
    %div3A_79 = arith.divf %sub3A_76, %div3A_78 : vector<1152x24xf32>
    %eq3A_80 = arith.constant 0 : i32
    %eq3A_81 = vector.broadcast %eq3A_80 : i32 to vector<1152x24xi32>
    %eq3A_82 = arith.cmpi eq, %select_n3A_71, %eq3A_81 : vector<1152x24xi32>
    %sub3A_83 = arith.subf %concatenate3A, %get3A_1 : vector<1152x24xf32>
    %div3A_84 = arith.constant 0.261799395 : f32
    %div3A_85 = vector.broadcast %div3A_84 : f32 to vector<1152x24xf32>
    %div3A_86 = arith.divf %sub3A_83, %div3A_85 : vector<1152x24xf32>
    %select_n3A_87 = arith.select %eq3A_82, %div3A_86, %div3A_79 : vector<1152x24xi1>, vector<1152x24xf32>
    %eq3A_88 = arith.constant 23 : i32
    %eq3A_89 = vector.broadcast %eq3A_88 : i32 to vector<1152x24xi32>
    %eq3A_90 = arith.cmpi eq, %select_n3A_71, %eq3A_89 : vector<1152x24xi32>
    %sub3A_91 = arith.subf %get3A_1, %concatenate3A_75 : vector<1152x24xf32>
    %div3A_92 = arith.constant 0.261799395 : f32
    %div3A_93 = vector.broadcast %div3A_92 : f32 to vector<1152x24xf32>
    %div3A_94 = arith.divf %sub3A_91, %div3A_93 : vector<1152x24xf32>
    %select_n3A_95 = arith.select %eq3A_90, %div3A_94, %select_n3A_87 : vector<1152x24xi1>, vector<1152x24xf32>
    %slice3A_96 = vector.extract_strided_slice %get3A_4 {offsets = [1, 0], sizes = [1151, 24], strides = [1, 1]} : vector<1152x24xf32> to vector<1151x24xf32>
    %slice3A_97 = vector.extract_strided_slice %get3A_4 {offsets = [1151, 0], sizes = [1, 24], strides = [1, 1]} : vector<1152x24xf32> to vector<1x24xf32>
    %concatenate3A_98 = tpu.concatenate %slice3A_96, %slice3A_97 in 0 : vector<1151x24xf32>, vector<1x24xf32> -> vector<1152x24xf32>
    %slice3A_99 = vector.extract_strided_slice %get3A_4 {offsets = [0, 0], sizes = [1, 24], strides = [1, 1]} : vector<1152x24xf32> to vector<1x24xf32>
    %slice3A_100 = vector.extract_strided_slice %get3A_4 {offsets = [0, 0], sizes = [1151, 24], strides = [1, 1]} : vector<1152x24xf32> to vector<1151x24xf32>
    %concatenate3A_101 = tpu.concatenate %slice3A_99, %slice3A_100 in 0 : vector<1x24xf32>, vector<1151x24xf32> -> vector<1152x24xf32>
    %sub3A_102 = arith.subf %concatenate3A_98, %concatenate3A_101 : vector<1152x24xf32>
    %div3A_103 = arith.constant 0.52359879 : f32
    %div3A_104 = vector.broadcast %div3A_103 : f32 to vector<1152x24xf32>
    %div3A_105 = arith.divf %sub3A_102, %div3A_104 : vector<1152x24xf32>
    %eq3A_106 = arith.constant 0 : i32
    %eq3A_107 = vector.broadcast %eq3A_106 : i32 to vector<1152x24xi32>
    %eq3A_108 = arith.cmpi eq, %select_n3A_21, %eq3A_107 : vector<1152x24xi32>
    %sub3A_109 = arith.subf %concatenate3A_98, %get3A_4 : vector<1152x24xf32>
    %div3A_110 = arith.constant 0.261799395 : f32
    %div3A_111 = vector.broadcast %div3A_110 : f32 to vector<1152x24xf32>
    %div3A_112 = arith.divf %sub3A_109, %div3A_111 : vector<1152x24xf32>
    %select_n3A_113 = arith.select %eq3A_108, %div3A_112, %div3A_105 : vector<1152x24xi1>, vector<1152x24xf32>
    %eq3A_114 = arith.constant 23 : i32
    %eq3A_115 = vector.broadcast %eq3A_114 : i32 to vector<1152x24xi32>
    %eq3A_116 = arith.cmpi eq, %select_n3A_21, %eq3A_115 : vector<1152x24xi32>
    %sub3A_117 = arith.subf %get3A_4, %concatenate3A_101 : vector<1152x24xf32>
    %div3A_118 = arith.constant 0.261799395 : f32
    %div3A_119 = vector.broadcast %div3A_118 : f32 to vector<1152x24xf32>
    %div3A_120 = arith.divf %sub3A_117, %div3A_119 : vector<1152x24xf32>
    %select_n3A_121 = arith.select %eq3A_116, %div3A_120, %select_n3A_113 : vector<1152x24xi1>, vector<1152x24xf32>
    %slice3A_122 = vector.extract_strided_slice %get3A_7 {offsets = [0, 2], sizes = [1152, 22], strides = [1, 1]} : vector<1152x24xf32> to vector<1152x22xf32>
    %slice3A_123 = vector.extract_strided_slice %get3A_7 {offsets = [0, 0], sizes = [1152, 22], strides = [1, 1]} : vector<1152x24xf32> to vector<1152x22xf32>
    %sub3A_124 = arith.subf %slice3A_122, %slice3A_123 : vector<1152x22xf32>
    %div3A_125 = arith.constant 0.52359879 : f32
    %div3A_126 = vector.broadcast %div3A_125 : f32 to vector<1152x22xf32>
    %div3A_127 = arith.divf %sub3A_124, %div3A_126 : vector<1152x22xf32>
    %slice3A_128 = vector.extract_strided_slice %get3A_7 {offsets = [0, 1], sizes = [1152, 1], strides = [1, 1]} : vector<1152x24xf32> to vector<1152x1xf32>
    %slice3A_129 = vector.extract_strided_slice %get3A_7 {offsets = [0, 0], sizes = [1152, 1], strides = [1, 1]} : vector<1152x24xf32> to vector<1152x1xf32>
    %sub3A_130 = arith.subf %slice3A_128, %slice3A_129 : vector<1152x1xf32>
    %div3A_131 = arith.constant 0.261799395 : f32
    %div3A_132 = vector.broadcast %div3A_131 : f32 to vector<1152x1xf32>
    %div3A_133 = arith.divf %sub3A_130, %div3A_132 : vector<1152x1xf32>
    %slice3A_134 = vector.extract_strided_slice %get3A_7 {offsets = [0, 23], sizes = [1152, 1], strides = [1, 1]} : vector<1152x24xf32> to vector<1152x1xf32>
    %slice3A_135 = vector.extract_strided_slice %get3A_7 {offsets = [0, 22], sizes = [1152, 1], strides = [1, 1]} : vector<1152x24xf32> to vector<1152x1xf32>
    %sub3A_136 = arith.subf %slice3A_134, %slice3A_135 : vector<1152x1xf32>
    %div3A_137 = arith.constant 0.261799395 : f32
    %div3A_138 = vector.broadcast %div3A_137 : f32 to vector<1152x1xf32>
    %div3A_139 = arith.divf %sub3A_136, %div3A_138 : vector<1152x1xf32>
    %concatenate3A_140 = tpu.concatenate %div3A_133, %div3A_127, %div3A_139 in 1 : vector<1152x1xf32>, vector<1152x22xf32>, vector<1152x1xf32> -> vector<1152x24xf32>
    %add3A_141 = arith.addf %select_n3A_95, %select_n3A_121 : vector<1152x24xf32>
    %add3A_142 = arith.addf %add3A_141, %concatenate3A_140 : vector<1152x24xf32>
    %abs3A = math.absf %add3A_142 : vector<1152x24xf32>
    %reduce_sum3A = vector.shape_cast %abs3A : vector<1152x24xf32> to vector<1x1152x24xf32>
    %reduce_sum3A_143 = arith.constant dense<0.000000e+00> : vector<1xf32>
    %reduce_sum3A_144 = vector.multi_reduction <add>, %reduce_sum3A, %reduce_sum3A_143 [1, 2] : vector<1x1152x24xf32> to vector<1xf32>
    %reduce_sum3A_145 = vector.shape_cast %reduce_sum3A_144 : vector<1xf32> to vector<1x1x1xf32>
    %reduce_sum3A_146 = vector.extract %reduce_sum3A_145[0, 0, 0] : f32 from vector<1x1x1xf32>
    %div3A_147 = arith.constant 2.764800e+04 : f32
    %div3A_148 = arith.divf %reduce_sum3A_146, %div3A_147 : f32
    %broadcast_in_dim3A = vector.broadcast %div3A_148 : f32 to vector<1x1xf32>
    %swap3A = arith.constant 0 : index
    %swap3A_149 = arith.constant 0 : index
    %swap3A_150 = vector.load %arg3[%swap3A, %swap3A_149] : memref<1x1xf32, #tpu.memory_space<vmem>>, vector<1x1xf32>
    tpu.vector_store %arg3[%swap3A, %swap3A_149], %broadcast_in_dim3A {strides = array<i32>} : memref<1x1xf32, #tpu.memory_space<vmem>>, vector<1x1xf32>,
    return
  }
}

</mosaic_0001>

<sc_bundles>
// kernel: kernel.5.cloned.1.call-start
scs
__scs_entry_jumppad:
0x0: {  	(pc) =	sbr.rel $0x88, $3  }
0x1: {  	(tag) =	ssettag $0x0;
	lr =	simm.s32 $0x1  }
0x2: {  	[smem:$0x3F9E] =	sst lr;
	_ =	strace $0xD0000000  }
0x3: {  	_ = 	snop  }
0x4: {  	_ = 	snop  }
0x5: {  	_ = 	snop  }
0x6: {  	_ = 	snop  }
0x7: {  	_ = 	snop  }
__scs_overlays_trampoline_lowered:
0x8: {  	[smem:$0x3FAD] =	sst s0  }
0x9: {  	[smem:$0x3FAE] =	sst s1  }
0xa: {  	[smem:$0x3FAF] =	sst s2  }
0xb: {  	[smem:$0x3FB0] =	sst s3  }
0xc: {  	[smem:$0x3FB1] =	sst s4  }
0xd: {  	[smem:$0x3FB2] =	sst s5  }
0xe: {  	[smem:$0x3FB3] =	sst s6  }
0xf: {  	[smem:$0x3FB4] =	sst s7  }
0x10: {  	[smem:$0x3FB5] =	sst s8  }
0x11: {  	[smem:$0x3FB6] =	sst s9;
	s0 =	simm.s32 @!p0 $0x0  }
0x12: {  	s1 =	sld [smem:$0x3F9C];
	s0 =	simm.s32 @p0 $0x1  }
0x13: {  	[smem:$0x3FB7] =	sst s0;
	s0 =	simm.s32 @!p1 $0x0  }
0x14: {  	s2 =	sld [smem:$0x3F9B];
	s0 =	simm.s32 @p1 $0x1  }
0x15: {  	[smem:$0x3FB8] =	sst s0;
	s0 =	simm.s32 @!p2 $0x0  }
0x16: {  	s3 =	sld [smem:$0x3FDB];
	s0 =	simm.s32 @p2 $0x1  }
0x17: {  	s4 =	simm.s32 $0x1BF5;
	[smem:$0x3FBA] =	sst s0  }
0x18: {  	s0 =	sld [smem:$0x3F9D];
	_ =	swait.ge [sflag:s4], $0x0  }
0x19: {  	s7 =	sld [smem:$0x3F9E]  }
0x1a: {  	s8 =	sadd.s32 $0xFFFFE003, lr  }
0x1b: {  	s9 =	sadd.s32 $0xFFFFFEF7, lr;
	s5 =	simm.s32 $0xFFFFFFFF;
	p2 =	slt.u32 s8, $0xFFFFF086  }
0x1c: {  	p1 =	slt.u32 s9, $0xF7A;
	s5 =	simm.s32 @!p2 $0x0  }
0x1d: {  	s5 =	simm.s32 @p1 $0x1;
	p0 =	seq.s32 s7, s2  }
0x1e: {  	s7 =	smul.u32 @!p0 $0xF7A, s2;
	p2 =	seq.s32 @!p0 s5, $0x0  }
0x1f: {  	s9 =	smul.u32 $0xF7A, s1;
	s8 =	simm.s32 @!p0 $0x1BF5;
	p2 =	por !p2, p0  }
0x20: {  	[sflag:s8] =	ssyncset.s32 @!p0 $0xFFFFF086;
	s6 =	sadd.s32 @!p0 s3, s7;
	s7 =	simm.s32 @!p0 $0x108  }
0x21: {  	s3 =	sadd.s32 s3, s9;
	s6 =	sadd.s32 @!p0 $0x88, s6;
	s7 =	simm.s32 @p2 $0x1082  }
0x22: {  	[simem:s7], [sflag:s8] =	dma.local @!p0 [hbm:s6], $0xF7A  }
0x23: {  	s9 =	sor.u32 $0xD0000000, s2;
	s6 =	simm.s32 $0x108;
	_ =	swait.ge @!p0 [sflag:s8], $0x0  }
0x24: {  	s3 =	sadd.s32 $0x88, s3;
	s6 =	simm.s32 @!p1 $0x1082;
	[sflag:s4] =	ssyncset.s32 $0xFFFFF086  }
0x25: {  	[simem:s6], [sflag:s4] =	dma.local [hbm:s3], $0xF7A  }
0x26: {  	[smem:$0x3F9E] =	sst s1;
	(tag) =	ssettag s2;
	_ =	strace s9  }
0x27: {  	s1 =	sld [smem:$0x3FAE]  }
0x28: {  	s2 =	sld [smem:$0x3FAF]  }
0x29: {  	s4 =	sld [smem:$0x3FB1]  }
0x2a: {  	p0 =	seq.s32 s5, $0x0;
	s5 =	sld [smem:$0x3FB2]  }
0x2b: {  	s6 =	sld [smem:$0x3FB3]  }
0x2c: {  	s7 =	sld [smem:$0x3FB4]  }
0x2d: {  	s3 =	simm.s32 $0x108;
	s8 =	sld [smem:$0x3FB5]  }
0x2e: {  	s3 =	simm.s32 @!p0 $0x1082;
	s9 =	sld [smem:$0x3FB6]  }
0x2f: {  	lr =	sadd.s32 s0, s3;
	s0 =	sld [smem:$0x3FAD]  }
0x30: {  	s3 =	sld [smem:$0x3FB0]  }
0x31: {  	[smem:$0x3FB9] =	sst s10  }
0x32: {  	s10 =	sld [smem:$0x3FB7];
	_ =	sdelay $0x3  }
0x33: {  	p0 =	seq.s32 s10, $0x1;
	s10 =	sld [smem:$0x3FB9];
	_ =	sdelay $0x3  }
0x34: {  	[smem:$0x3FB9] =	sst s10  }
0x35: {  	s10 =	sld [smem:$0x3FB8];
	_ =	sdelay $0x3  }
0x36: {  	p1 =	seq.s32 s10, $0x1;
	s10 =	sld [smem:$0x3FB9];
	_ =	sdelay $0x3  }
0x37: {  	[smem:$0x3FB9] =	sst s10  }
0x38: {  	s10 =	sld [smem:$0x3FBA]  }
0x39: {  	_ = 	snop;
	(pc) =	sbr.ind lr, $3  }
0x3a: {  	_ = 	snop  }
0x3b: {  	_ = 	snop  }
0x3c: {  	p2 =	seq.s32 s10, $0x1;
	s10 =	sld [smem:$0x3FB9]  }
0x3d: {  	_ =	shalt  }
0x3e: {  	_ =	shalt  }
0x3f: {  	_ =	shalt  }
0x40: {  	_ =	shalt  }
0x41: {  	_ =	shalt  }
0x42: {  	_ =	shalt  }
0x43: {  	_ =	shalt  }
0x44: {  	_ =	shalt  }
0x45: {  	_ =	shalt  }
0x46: {  	_ =	shalt  }
0x47: {  	_ =	shalt  }
0x48: {  	_ =	shalt  }
0x49: {  	_ =	shalt  }
0x4a: {  	_ =	shalt  }
0x4b: {  	_ =	shalt  }
0x4c: {  	_ =	shalt  }
0x4d: {  	_ =	shalt  }
0x4e: {  	_ =	shalt  }
0x4f: {  	_ =	shalt  }
0x50: {  	_ =	shalt  }
0x51: {  	_ =	shalt  }
0x52: {  	_ =	shalt  }
0x53: {  	_ =	shalt  }
0x54: {  	_ =	shalt  }
0x55: {  	_ =	shalt  }
0x56: {  	_ =	shalt  }
0x57: {  	_ =	shalt  }
0x58: {  	_ =	shalt  }
0x59: {  	_ =	shalt  }
0x5a: {  	_ =	shalt  }
0x5b: {  	_ =	shalt  }
0x5c: {  	_ =	shalt  }
0x5d: {  	_ =	shalt  }
0x5e: {  	_ =	shalt  }
0x5f: {  	_ =	shalt  }
0x60: {  	_ =	shalt  }
0x61: {  	_ =	shalt  }
0x62: {  	_ =	shalt  }
0x63: {  	_ =	shalt  }
0x64: {  	_ =	shalt  }
0x65: {  	_ =	shalt  }
0x66: {  	_ =	shalt  }
0x67: {  	_ =	shalt  }
0x68: {  	_ =	shalt  }
0x69: {  	_ =	shalt  }
0x6a: {  	_ =	shalt  }
0x6b: {  	_ =	shalt  }
0x6c: {  	_ =	shalt  }
0x6d: {  	_ =	shalt  }
0x6e: {  	_ =	shalt  }
0x6f: {  	_ =	shalt  }
0x70: {  	_ =	shalt  }
0x71: {  	_ =	shalt  }
0x72: {  	_ =	shalt  }
0x73: {  	_ =	shalt  }
0x74: {  	_ =	shalt  }
0x75: {  	_ =	shalt  }
0x76: {  	_ =	shalt  }
0x77: {  	_ =	shalt  }
0x78: {  	_ =	shalt  }
0x79: {  	_ =	shalt  }
0x7a: {  	_ =	shalt  }
0x7b: {  	_ =	shalt  }
0x7c: {  	_ =	shalt  }
0x7d: {  	_ =	shalt  }
0x7e: {  	_ =	shalt  }
0x7f: {  	_ =	shalt  }
0x80: {  	_ =	shalt  }
0x81: {  	_ =	shalt  }
0x82: {  	_ =	shalt  }
0x83: {  	_ =	shalt  }
0x84: {  	_ =	shalt  }
0x85: {  	_ =	shalt  }
0x86: {  	_ =	shalt  }
0x87: {  	_ =	shalt  }
.Lfunc_end0:
.L_simem_size_0:
called_computation_lowered:
.L_overlay_start_0:
0x88: {  	s2 =	sld [smem:$0x3FD9]  }
0x89: {  	s3 =	sld [smem:$0x3FFE];
	_ =	sdelay $0x1  }
0x8a: {  	s1 =	srdreg.scid  }
0x8b: {  	s0 =	sand.u32 $0x1, s1  }
0x8c: {  	s16 =	sshll.u32 s0, $0xA;
	s2 =	sadd.s32 s3, s2  }
0x8d: {  	s2 =	sadd.s32 s2, s16  }
0x8e: {  	[smem:$0x3FC5] =	sst s2  }
0x8f: {  	_ = 	snop  }
0x90: {  	(tm) =	ssettm $0x1  }
0x91: {  	s17 =	sld [smem:$0x3FFB];
	_ =	sdelay $0x3  }
0x92: {  	_ =	strace s17  }
0x93: {  	s2 =	sld [smem:$0x3FFC];
	_ =	sdelay $0x3  }
0x94: {  	_ =	strace s2  }
0x95: {  	s2 =	sld [smem:$0x3FFD];
	_ =	sdelay $0x3  }
0x96: {  	_ =	strace s2  }
0x97: {  	_ =	strace $0x8FFFFFFF  }
0x98: {  	s18 =	sld [smem:$0x3FDB];
	_ =	sdelay $0x1  }
0x99: {  	s19 =	simm.s32 $_scs_section_size  }
0x9a: {  	s4 =	simm.s32 $_size__tile_overlayer_lowered;
	s5 =	simm.s32 $_tile_overlayer_lowered  }
0x9b: {  	s22 =	simm.s32 $0x1BFF;
	s21 =	sshll.u32 s5, $0x1;
	s2 =	sadd.s32 s19, s18  }
0x9c: {  	s6 =	simm.s32 $0x0;
	s20 =	sshll.u32 s4, $0x1;
	s4 =	sadd.s32 s21, s2  }
0x9d: {  	[timem:s6], [sflag:s22] =	dma.local [hbm:s4], s20  }
0x9e: {  	_ =	swait.ge [sflag:s22], s20  }
0x9f: {  	s3 =	ssub.s32 $0x0, s20;
	[sflag:s22] =	ssyncset.done $0x0  }
0xa0: {  	[sflag:s22] =	ssyncadd.s32 s3;
	_ =	sdelay $0x1  }
0xa1: {  	s23 =	simm.s32 $0x1B8B  }
0xa2: {  	_ =	swait.ge [sflag:s23], $0x1  }
0xa3: {  	[sflag:s23] =	ssyncset.done $0x0  }
0xa4: {  	s25 =	simm.s32 $0x1B8E;
	s24 =	sld [smem:$0x3FFE];
	[sflag:s23] =	ssyncadd.s32 $0xFFFFFFFF  }
0xa5: {  	s26 =	simm.s32 $execute0_lowered;
	[smem:$0x3FD2] =	sst s25  }
0xa6: {  	s4 =	sshll.u32 s26, $0x1;
	_ =	strace $0x80000046;
	[dreg:$0x1] =	wrdreg $0xFFFFFFFF  }
0xa7: {  	s28 =	simm.s32 $_size_execute0_lowered;
	s2 =	sadd.s32 s2, s4;
	[dreg:$0x0] =	wrdreg $0x0  }
0xa8: {  	s4 =	sshll.u32 s28, $0x1;
	[dreg:$0x2] =	wrdreg s2  }
0xa9: {  	[dreg:$0x3] =	wrdreg s4  }
0xaa: {  	[dreg:$0x4] =	wrdreg $0xC0  }
0xab: {  	_ =	task [dreg:s6], $0x5FFFF  }
0xac: {  	[dreg:$0x1] =	wrdreg $0xFFFFFFFF  }
0xad: {  	[dreg:$0x0] =	wrdreg $0x60  }
0xae: {  	[dreg:$0x2] =	wrdreg s24  }
0xaf: {  	[dreg:$0x3] =	wrdreg $0x9  }
0xb0: {  	_ =	task.clear_ibuf [dreg:s6], $0x4FFFF;
	_ =	strace $0x90000046  }
0xb1: {  	s29 =	simm.s32 $0x9;
	_ =	strace $0x80000048  }
0xb2: {  	_ =	swait.ge [sflag:s29], $0x1  }
0xb3: {  	[sflag:s29] =	ssyncadd.s32 $0xFFFFFFFF  }
0xb4: {  	_ =	strace $0x90000048  }
0xb5: {  	_ =	sfence  }
0xb6: {  	s30 =	sld [smem:$0x0];
	_ =	sdelay $0x2  }
0xb7: {  	s31 =	sshll.u32 s1, $0xD;
	s1 =	sshrl.u32 s1, $0x2  }
0xb8: {  	s3 =	sand.u32 $0x4000, s31;
	s1 =	sadd.s32 s1, s30  }
0xb9: {  	s0 =	sor.u32 s3, s0;
	s1 =	sshll.u32 s1, $0x11  }
0xba: {  	s0 =	sor.u32 s1, s0  }
0xbb: {  	s0 =	sadd.s32 $0x8F2B, s0  }
0xbc: {  	[sflag:s0] =	ssyncadd.remote.s32 $0x1  }
0xbd: {  	_ =	sfence.sel $0xFFFF  }
0xbe: {  	[dreg:$0x0] =	wrdreg $0xFFFFFFFF;
	(pc) =	sbr.abs _section_cstart, $3  }
0xbf: {  	[dreg:$0x1] =	wrdreg $0xFFFFFFFF  }
0xc0: {  	_ =	task.clear_ibuf [dreg:s6], $0x2FFFF;
	_ =	strace $0x9FFFFFFF  }
0xc1: {  	(tm) =	ssettm $0x7FFFFFFF  }
tec
execute0_lowered:
.L_overlay_start_1:
0x0: {  	(tag) =	ssettag $0x1  }
0x1: {  	s0 =	rddreg [dreg:$0x0]  }
0x2: {  	s2 =	stileid.u32;
	s1 =	srdreg.scid  }
0x3: {  	s24 =	simm.s32 $0x3600;
	s25 =	simm.s32 $0x1;
	s29 =	simm.s32 $0x0  }
0x4: {  	s3 =	sshrl.u32 s2, $0x3;
	s1 =	sand.u32 $0x1, s1;
	s4 =	sshll.u32 s2, $0x1  }
0x5: {  	s2 =	simm.s32 $0x0;
	s18 =	sadd.s32 $0x600, s0;
	s5 =	smul.u32 $0x300, s3  }
0x6: {  	s19 =	sadd.s32 $0x7200, s0;
	s4 =	sor.u32 s1, s4;
	s6 =	smul.u32 $0xFFFFCA00, s3  }
0x7: {  	[smem:$0x7FF] =	sst s2;
	s1 =	ssub.s32 $0x2, s1;
	s4 =	smul.u32 $0x360, s4  }
0x8: {  	s3 =	smul.u32 $0x1B000, s3;
	_ =	strace $0x80000047;
	s7 =	sshrl.u32 s1, $0x1  }
0x9: {  	s5 =	sadd.s32 s5, s0;
	s1 =	ssub.s32 s1, s7;
	s6 =	sadd.s32 s6, s4  }
0xa: {  	s4 =	sshrl.u32 s4, $0x3;
	s23 =	smax.u32 s1, $0x1;
	s15 =	sadd.s32 s3, s6  }
0xb: {  	s0 =	sadd.s32 s4, s0;
	s3 =	sadd.s32 $0xDE00, s5;
	s6 =	sshrl.u32 s15, $0x3  }
0xc: {  	s31 =	sadd.s32 $0x3600, s15;
	s8 =	sadd.s32 $0x6C00, s15;
	s10 =	sadd.s32 $0xA200, s15  }
0xd: {  	s12 =	sadd.s32 $0xD800, s15;
	s14 =	sadd.s32 $0x10E00, s15;
	s17 =	sadd.s32 $0x14400, s15  }
0xe: {  	s20 =	sadd.s32 $0x17A00, s15;
	s21 =	sadd.s32 $0xF180, s0;
	s22 =	sadd.s32 $0xFF00, s0  }
0xf: {  	s4 =	sadd.s32 s18, s6;
	s5 =	sadd.s32 s19, s6;
	s7 =	sshrl.u32 s31, $0x3  }
0x10: {  	s9 =	sshrl.u32 s8, $0x3;
	s11 =	sshrl.u32 s10, $0x3;
	s13 =	sshrl.u32 s12, $0x3  }
0x11: {  	s16 =	sshrl.u32 s14, $0x3;
	s17 =	sshrl.u32 s17, $0x3;
	s20 =	sshrl.u32 s20, $0x3  }
0x12: {  	s6 =	sadd.s32 s18, s7;
	s7 =	sadd.s32 s19, s7;
	s8 =	sadd.s32 s18, s9  }
0x13: {  	s9 =	sadd.s32 s19, s9;
	s10 =	sadd.s32 s18, s11;
	s11 =	sadd.s32 s19, s11  }
0x14: {  	s12 =	sadd.s32 s18, s13;
	s13 =	sadd.s32 s19, s13;
	s14 =	sadd.s32 s18, s16  }
0x15: {  	s15 =	sadd.s32 s19, s16;
	s16 =	sadd.s32 s18, s17;
	s17 =	sadd.s32 s19, s17  }
0x16: {  	s18 =	sadd.s32 s18, s20;
	s19 =	sadd.s32 s19, s20;
	s20 =	sadd.s32 $0xE400, s0  }
.LBB2_1:
0x17: {  	[tilespmem:s24], [sflag:$0x1] =	stream.linear.gather [hbm4b:s3+s2], $0x1800, $0x38;
	[tilespmem:$0x5880] =	vst v63  }
0x18: {  	_ =	swait.ge [sflag:s25], $0x1800  }
0x19: {  	[sflag:s25] =	ssyncset.done $0x0  }
0x1a: {  	[sflag:s25] =	ssyncadd.s32 $0xFFFFE800  }
0x1b: {  	[tilespmem:s2], [sflag:$0x1] =	stream.linear.gather [hbm4b:s4+s2], $0x360, $0x38;
	[tilespmem:$0x5880] =	vst v63  }
0x1c: {  	_ =	swait.ge [sflag:s25], $0x360  }
0x1d: {  	[sflag:s25] =	ssyncset.done $0x0  }
0x1e: {  	s0 =	simm.s32 $0x1B00;
	[sflag:s25] =	ssyncadd.s32 $0xFFFFFCA0  }
0x1f: {  	[tilespmem:s0], [sflag:$0x1] =	stream.linear.gather [hbm4b:s5+s2], $0x360, $0x38;
	[tilespmem:$0x5880] =	vst v63  }
0x20: {  	_ =	swait.ge [sflag:s25], $0x360  }
0x21: {  	[sflag:s25] =	ssyncset.done $0x0  }
0x22: {  	s28 =	simm.s32 $0x360;
	[sflag:s25] =	ssyncadd.s32 $0xFFFFFCA0  }
0x23: {  	[tilespmem:s28], [sflag:$0x1] =	stream.linear.gather [hbm4b:s6+s2], $0x360, $0x38;
	[tilespmem:$0x5880] =	vst v63  }
0x24: {  	_ =	swait.ge [sflag:s25], $0x360  }
0x25: {  	[sflag:s25] =	ssyncset.done $0x0  }
0x26: {  	s1 =	simm.s32 $0x1E60;
	[sflag:s25] =	ssyncadd.s32 $0xFFFFFCA0  }
0x27: {  	[tilespmem:s1], [sflag:$0x1] =	stream.linear.gather [hbm4b:s7+s2], $0x360, $0x38;
	[tilespmem:$0x5880] =	vst v63  }
0x28: {  	_ =	swait.ge [sflag:s25], $0x360  }
0x29: {  	[sflag:s25] =	ssyncset.done $0x0  }
0x2a: {  	s26 =	simm.s32 $0x6C0;
	[sflag:s25] =	ssyncadd.s32 $0xFFFFFCA0  }
0x2b: {  	[tilespmem:s26], [sflag:$0x1] =	stream.linear.gather [hbm4b:s8+s2], $0x360, $0x38;
	[tilespmem:$0x5880] =	vst v63  }
0x2c: {  	_ =	swait.ge [sflag:s25], $0x360  }
0x2d: {  	[sflag:s25] =	ssyncset.done $0x0  }
0x2e: {  	s28 =	simm.s32 $0x21C0;
	[sflag:s25] =	ssyncadd.s32 $0xFFFFFCA0  }
0x2f: {  	[tilespmem:s28], [sflag:$0x1] =	stream.linear.gather [hbm4b:s9+s2], $0x360, $0x38;
	[tilespmem:$0x5880] =	vst v63  }
0x30: {  	_ =	swait.ge [sflag:s25], $0x360  }
0x31: {  	[sflag:s25] =	ssyncset.done $0x0  }
0x32: {  	s1 =	simm.s32 $0xA20;
	[sflag:s25] =	ssyncadd.s32 $0xFFFFFCA0  }
0x33: {  	[tilespmem:s1], [sflag:$0x1] =	stream.linear.gather [hbm4b:s10+s2], $0x360, $0x38;
	[tilespmem:$0x5880] =	vst v63  }
0x34: {  	_ =	swait.ge [sflag:s25], $0x360  }
0x35: {  	[sflag:s25] =	ssyncset.done $0x0  }
0x36: {  	s26 =	simm.s32 $0x2520;
	[sflag:s25] =	ssyncadd.s32 $0xFFFFFCA0  }
0x37: {  	[tilespmem:s26], [sflag:$0x1] =	stream.linear.gather [hbm4b:s11+s2], $0x360, $0x38;
	[tilespmem:$0x5880] =	vst v63  }
0x38: {  	_ =	swait.ge [sflag:s25], $0x360  }
0x39: {  	[sflag:s25] =	ssyncset.done $0x0  }
0x3a: {  	s28 =	simm.s32 $0xD80;
	[sflag:s25] =	ssyncadd.s32 $0xFFFFFCA0  }
0x3b: {  	[tilespmem:s28], [sflag:$0x1] =	stream.linear.gather [hbm4b:s12+s2], $0x360, $0x38;
	[tilespmem:$0x5880] =	vst v63  }
0x3c: {  	_ =	swait.ge [sflag:s25], $0x360  }
0x3d: {  	[sflag:s25] =	ssyncset.done $0x0  }
0x3e: {  	s1 =	simm.s32 $0x2880;
	[sflag:s25] =	ssyncadd.s32 $0xFFFFFCA0  }
0x3f: {  	[tilespmem:s1], [sflag:$0x1] =	stream.linear.gather [hbm4b:s13+s2], $0x360, $0x38;
	[tilespmem:$0x5880] =	vst v63  }
0x40: {  	_ =	swait.ge [sflag:s25], $0x360  }
0x41: {  	[sflag:s25] =	ssyncset.done $0x0  }
0x42: {  	s30 =	simm.s32 $0x10E0;
	[sflag:s25] =	ssyncadd.s32 $0xFFFFFCA0  }
0x43: {  	[tilespmem:s30], [sflag:$0x1] =	stream.linear.gather [hbm4b:s14+s2], $0x360, $0x38;
	[tilespmem:$0x5880] =	vst v63  }
0x44: {  	_ =	swait.ge [sflag:s25], $0x360  }
0x45: {  	[sflag:s25] =	ssyncset.done $0x0  }
0x46: {  	s31 =	simm.s32 $0x2BE0;
	[sflag:s25] =	ssyncadd.s32 $0xFFFFFCA0  }
0x47: {  	[tilespmem:s31], [sflag:$0x1] =	stream.linear.gather [hbm4b:s15+s2], $0x360, $0x38;
	[tilespmem:$0x5880] =	vst v63  }
0x48: {  	_ =	swait.ge [sflag:s25], $0x360  }
0x49: {  	[sflag:s25] =	ssyncset.done $0x0  }
0x4a: {  	s26 =	simm.s32 $0x1440;
	[sflag:s25] =	ssyncadd.s32 $0xFFFFFCA0  }
0x4b: {  	[tilespmem:s26], [sflag:$0x1] =	stream.linear.gather [hbm4b:s16+s2], $0x360, $0x38;
	[tilespmem:$0x5880] =	vst v63  }
0x4c: {  	_ =	swait.ge [sflag:s25], $0x360  }
0x4d: {  	[sflag:s25] =	ssyncset.done $0x0  }
0x4e: {  	s28 =	simm.s32 $0x2F40;
	[sflag:s25] =	ssyncadd.s32 $0xFFFFFCA0  }
0x4f: {  	[tilespmem:s28], [sflag:$0x1] =	stream.linear.gather [hbm4b:s17+s2], $0x360, $0x38;
	[tilespmem:$0x5880] =	vst v63  }
0x50: {  	_ =	swait.ge [sflag:s25], $0x360  }
0x51: {  	[sflag:s25] =	ssyncset.done $0x0  }
0x52: {  	s1 =	simm.s32 $0x17A0;
	[sflag:s25] =	ssyncadd.s32 $0xFFFFFCA0  }
0x53: {  	[tilespmem:s1], [sflag:$0x1] =	stream.linear.gather [hbm4b:s18+s2], $0x360, $0x38;
	[tilespmem:$0x5880] =	vst v63  }
0x54: {  	_ =	swait.ge [sflag:s25], $0x360  }
0x55: {  	[sflag:s25] =	ssyncset.done $0x0  }
0x56: {  	s26 =	simm.s32 $0x32A0;
	[sflag:s25] =	ssyncadd.s32 $0xFFFFFCA0  }
0x57: {  	[tilespmem:s26], [sflag:$0x1] =	stream.linear.gather [hbm4b:s19+s2], $0x360, $0x38;
	[tilespmem:$0x5880] =	vst v63  }
0x58: {  	_ =	swait.ge [sflag:s25], $0x360  }
0x59: {  	[sflag:s25] =	ssyncset.done $0x0  }
0x5a: {  	[sflag:s25] =	ssyncadd.s32 $0xFFFFFCA0  }
0x5b: {  	v1 =	vld [tilespmem:s31+$0x0]  }
0x5c: {  	v27 =	vld [tilespmem:s31+$0xFFFFF280]  }
0x5d: {  	v0 =	vld [tilespmem:s31+$0x6C0]  }
0x5e: {  	v3 =	vld [tilespmem:s30+$0x6C0]  }
0x5f: {  	v9 =	vld [tilespmem:s30+$0x0]  }
0x60: {  	v12 =	vld [tilespmem:s30+$0xFFFFF5E0]  }
0x61: {  	v7 =	vld [tilespmem:s31+$0xFFFFF5E0]  }
0x62: {  	v4 =	vld [tilespmem:s30+$0xFFFFF280]  }
0x63: {  	v18 =	vld [tilespmem:s30+$0xFFFFF940]  }
0x64: {  	v10 =	vld [tilespmem:s31+$0xFFFFEF20]  }
0x65: {  	v5 =	vld [tilespmem:s31+$0xFFFFF940]  }
0x66: {  	s28 =	sand.u32 $0x3F0, s2;
	v6 =	vld [tilespmem:s30+$0xFFFFEF20]  }
0x67: {  	v24 =	vld [tilespmem:s28+$0xD80]  }
0x68: {  	v2 =	vld [tilespmem:s31+$0x360]  }
0x69: {  	v8 =	vld [tilespmem:s28+$0x2880];
	v11 =	vadd.s32 $0x1000, v4  }
0x6a: {  	v21 =	vld [tilespmem:s30+$0x360];
	v14 =	vadd.f32 $0.0e+00, v10  }
0x6b: {  	v13 =	vadd.s32 $0x800, v4;
	v17 =	vld.idx.msk [tilespmem:v9+s24+$0x0], $0xffff  }
0x6c: {  	v15 =	vadd.s32 $0x800, v6;
	v14 =	vadd.f32 v27, v14;
	v16 =	vld.idx.msk [tilespmem:v12+s24+$0x0], $0xffff  }
0x6d: {  	v23 =	vadd.s32 $0x800, v12;
	v31 =	vld.idx.msk [tilespmem:v4+s24+$0x0], $0xffff  }
0x6e: {  	v20 =	vadd.s32 $0x1000, v9;
	v19 =	vld.idx.msk [tilespmem:v11+s24+$0x0], $0xffff;
	v11 =	vadd.f32 v7, v14  }
0x6f: {  	v26 =	vadd.s32 $0x1000, v6;
	v28 =	vld.idx.msk [tilespmem:v6+s24+$0x0], $0xffff  }
0x70: {  	v22 =	vld.idx.msk [tilespmem:v13+s24+$0x0], $0xffff;
	v13 =	vadd.f32 v5, v11  }
0x71: {  	v32 =	vadd.s32 $0x1000, v12;
	v6 =	vadd.s32 $0x800, v3;
	v4 =	vadd.s32 $0x1000, v3;
	v30 =	vld.idx.msk [tilespmem:v15+s24+$0x0], $0xffff  }
0x72: {  	v14 =	vadd.s32 $0x800, v18;
	v15 =	vadd.s32 $0x800, v24;
	v25 =	vld.idx.msk [tilespmem:v23+s24+$0x0], $0xffff;
	v29 =	vadd.f32 v8, v13  }
0x73: {  	v11 =	vadd.s32 $0x800, v9;
	v9 =	vld.idx.msk [tilespmem:v20+s24+$0x0], $0xffff;
	v20 =	vmul.f32 v16, v7;
	v12 =	vmul.f32 v17, v1  }
0x74: {  	v26 =	vld.idx.msk [tilespmem:v26+s24+$0x0], $0xffff;
	v17 =	vadd.s32 $0x1000, v24;
	v33 =	vmul.f32 v28, v10;
	v29 =	vadd.f32 v1, v29  }
0x75: {  	v23 =	vld.idx.msk [tilespmem:v18+s24+$0x0], $0xffff;
	v31 =	vmul.f32 v31, v27;
	v13 =	vadd.s32 $0x1000, v18;
	v18 =	vadd.s32 $0x1000, v21  }
0x76: {  	v24 =	vld.idx.msk [tilespmem:v24+s24+$0x0], $0xffff;
	v16 =	vmul.f32 v19, v27;
	v22 =	vmul.f32 v22, v27;
	v28 =	vadd.f32 v2, v29  }
0x77: {  	s0 =	simm.s32 $0x5160;
	s1 =	simm.s32 $0x10;
	s26 =	simm.s32 $0x5160;
	v19 =	vadd.s32 $0x800, v21;
	v30 =	vmul.f32 v30, v10;
	v27 =	vld.idx.msk [tilespmem:v32+s24+$0x0], $0xffff;
	v29 =	vadd.f32 $0.0e+00, v33  }
.LBB2_2:
0x78: {  	v21 =	vld.idx.msk [tilespmem:v21+s24+$0x0], $0xffff;
	v28 =	vadd.f32 v0, v28;
	s30 =	sadd.s32 $0x10, s30;
	s31 =	sadd.s32 $0x10, s31;
	s26 =	sadd.s32 $0x10, s26  }
0x79: {  	p0 =	sne.s32 s1, $0x350;
	v25 =	vmul.f32 v25, v7;
	s28 =	smov.u32 s1;
	s1 =	sadd.s32 $0x10, s1;
	v30 =	vadd.f32 $0.0e+00, v30;
	v29 =	vadd.f32 v31, v29;
	v14 =	vld.idx.msk [tilespmem:v14+s24+$0x0], $0xffff  }
0x7a: {  	v10 =	vmul.f32 v26, v10;
	v13 =	vld.idx.msk [tilespmem:v13+s24+$0x0], $0xffff  }
0x7b: {  	v23 =	vmul.f32 v23, v5;
	v22 =	vadd.f32 v22, v30;
	v20 =	vadd.f32 v20, v29;
	v15 =	vld.idx.msk [tilespmem:v15+s24+$0x0], $0xffff  }
0x7c: {  	v10 =	vadd.f32 $0.0e+00, v10;
	v24 =	vmul.f32 v24, v8;
	v17 =	vld.idx.msk [tilespmem:v17+s24+$0x0], $0xffff  }
0x7d: {  	v7 =	vmul.f32 v27, v7;
	v22 =	vadd.f32 v25, v22;
	v20 =	vadd.f32 v23, v20;
	v11 =	vld.idx.msk [tilespmem:v11+s24+$0x0], $0xffff  }
0x7e: {  	v10 =	vadd.f32 v16, v10;
	v3 =	vld.idx.msk [tilespmem:v3+s24+$0x0], $0xffff;
	(erf) = vrcp.f32 v28  }
0x7f: {  	v14 =	vmul.f32 v14, v5;
	v16 =	vadd.f32 v24, v20;
	v19 =	vld.idx.msk [tilespmem:v19+s24+$0x0], $0xffff;
	v20 =	vmul.f32 v21, v2  }
0x80: {  	v7 =	vadd.f32 v7, v10;
	v5 =	vmul.f32 v13, v5;
	v10 =	vld.idx.msk [tilespmem:v18+s24+$0x0], $0xffff  }
0x81: {  	v13 =	vadd.f32 v14, v22;
	v14 =	vmul.f32 v15, v8;
	v12 =	vadd.f32 v12, v16;
	v6 =	vld.idx.msk [tilespmem:v6+s24+$0x0], $0xffff  }
0x82: {  	v5 =	vadd.f32 v5, v7;
	v7 =	vmul.f32 v17, v8;
	v4 =	vld.idx.msk [tilespmem:v4+s24+$0x0], $0xffff  }
0x83: {  	v8 =	vadd.f32 v14, v13;
	v11 =	vmul.f32 v11, v1;
	v12 =	vadd.f32 v20, v12  }
0x84: {  	v1 =	vmul.f32 v9, v1;
	v5 =	vadd.f32 v7, v5;
	v3 =	vmul.f32 v3, v0  }
0x85: {  	v9 =	vadd.f32 v11, v8;
	v8 =	vmul.f32 v19, v2  }
0x86: {  	s28 =	sand.u32 $0x3F0, s28;
	v1 =	vadd.f32 v1, v5;
	v2 =	vmul.f32 v10, v2;
	v3 =	vadd.f32 v3, v12  }
0x87: {  	v5 =	vadd.f32 v8, v9;
	v6 =	vmul.f32 v6, v0;
	v7 =	vpop (erf)  }
0x88: {  	v1 =	vadd.f32 v2, v1;
	v0 =	vmul.f32 v4, v0;
	v2 =	vmul.f32 v3, v7  }
0x89: {  	v3 =	vadd.f32 v6, v5  }
0x8a: {  	v0 =	vadd.f32 v0, v1;
	[tilespmem:s0+$0xFFFFFCA0] =	vst v2  }
0x8b: {  	v1 =	vmul.f32 v3, v7  }
0x8c: {  	v0 =	vmul.f32 v0, v7  }
0x8d: {  	[tilespmem:s0+$0x0] =	vst v1  }
0x8e: {  	[tilespmem:s0+$0x360] =	vst v0;
	s0 =	smov.u32 s26  }
0x8f: {  	v1 =	vld [tilespmem:s31+$0x0]  }
0x90: {  	v27 =	vld [tilespmem:s31+$0xFFFFF280]  }
0x91: {  	v0 =	vld [tilespmem:s31+$0x6C0]  }
0x92: {  	v3 =	vld [tilespmem:s30+$0x6C0]  }
0x93: {  	v2 =	vld [tilespmem:s30+$0x0]  }
0x94: {  	v9 =	vld [tilespmem:s30+$0xFFFFF5E0]  }
0x95: {  	v7 =	vld [tilespmem:s31+$0xFFFFF5E0]  }
0x96: {  	v12 =	vld [tilespmem:s30+$0xFFFFF280]  }
0x97: {  	v18 =	vld [tilespmem:s30+$0xFFFFF940];
	v6 =	vadd.s32 $0x800, v3;
	v4 =	vadd.s32 $0x1000, v3  }
0x98: {  	v10 =	vld [tilespmem:s31+$0xFFFFEF20]  }
0x99: {  	v11 =	vadd.s32 $0x800, v2;
	v22 =	vadd.s32 $0x1000, v2;
	v19 =	vadd.s32 $0x800, v9;
	v5 =	vld [tilespmem:s31+$0xFFFFF940]  }
0x9a: {  	v32 =	vadd.s32 $0x1000, v9;
	v16 =	vld [tilespmem:s30+$0xFFFFEF20]  }
0x9b: {  	v17 =	vadd.s32 $0x800, v12;
	v15 =	vadd.s32 $0x1000, v12;
	v24 =	vld [tilespmem:s28+$0xD80]  }
0x9c: {  	v14 =	vadd.s32 $0x800, v18;
	v13 =	vadd.s32 $0x1000, v18;
	v23 =	vld.idx.msk [tilespmem:v2+s24+$0x0], $0xffff  }
0x9d: {  	v20 =	vadd.f32 $0.0e+00, v10;
	v2 =	vld [tilespmem:s31+$0x360]  }
0x9e: {  	v8 =	vld [tilespmem:s28+$0x2880]  }
0x9f: {  	v20 =	vadd.f32 v27, v20;
	v9 =	vld.idx.msk [tilespmem:v9+s24+$0x0], $0xffff  }
0xa0: {  	v25 =	vadd.s32 $0x800, v16;
	v26 =	vadd.s32 $0x1000, v16;
	v28 =	vld.idx.msk [tilespmem:v15+s24+$0x0], $0xffff;
	v15 =	vadd.s32 $0x800, v24  }
0xa1: {  	v29 =	vld.idx.msk [tilespmem:v17+s24+$0x0], $0xffff;
	v20 =	vadd.f32 v7, v20;
	v17 =	vadd.s32 $0x1000, v24  }
0xa2: {  	v31 =	vld.idx.msk [tilespmem:v12+s24+$0x0], $0xffff  }
0xa3: {  	v30 =	vld.idx.msk [tilespmem:v16+s24+$0x0], $0xffff;
	v12 =	vadd.f32 v5, v20  }
0xa4: {  	v21 =	vld [tilespmem:s30+$0x360]  }
0xa5: {  	v20 =	vmul.f32 v9, v7;
	v33 =	vld.idx.msk [tilespmem:v25+s24+$0x0], $0xffff;
	v34 =	vadd.f32 v8, v12  }
0xa6: {  	v16 =	vmul.f32 v28, v27;
	v12 =	vmul.f32 v23, v1;
	v9 =	vld.idx.msk [tilespmem:v22+s24+$0x0], $0xffff  }
.Ltmp0:
0xa7: {  	v22 =	vmul.f32 v29, v27;
	v25 =	vld.idx.msk [tilespmem:v19+s24+$0x0], $0xffff;
	v28 =	vadd.f32 v1, v34;
	(pc) =	sbr.rel @p0 .LBB2_2-.Ltmp0, $4  }
0xa8: {  	v26 =	vld.idx.msk [tilespmem:v26+s24+$0x0], $0xffff  }
0xa9: {  	v29 =	vmul.f32 v30, v10;
	v23 =	vld.idx.msk [tilespmem:v18+s24+$0x0], $0xffff;
	v19 =	vadd.s32 $0x800, v21;
	v28 =	vadd.f32 v2, v28  }
0xaa: {  	v18 =	vadd.s32 $0x1000, v21;
	v24 =	vld.idx.msk [tilespmem:v24+s24+$0x0], $0xffff  }
0xab: {  	v31 =	vmul.f32 v31, v27;
	v29 =	vadd.f32 $0.0e+00, v29;
	v30 =	vmul.f32 v33, v10;
	v27 =	vld.idx.msk [tilespmem:v32+s24+$0x0], $0xffff  }
0xac: {  	_ =	sdelay $0x3  }
0xad: {  	v21 =	vld.idx.msk [tilespmem:v21+s24+$0x0], $0xffff  }
0xae: {  	v14 =	vld.idx.msk [tilespmem:v14+s24+$0x0], $0xffff;
	v10 =	vmul.f32 v26, v10  }
0xaf: {  	v13 =	vld.idx.msk [tilespmem:v13+s24+$0x0], $0xffff;
	v28 =	vadd.f32 v0, v28;
	v44 =	vadd.f32 $0.0e+00, v30  }
0xb0: {  	v25 =	vmul.f32 v25, v7;
	v15 =	vld.idx.msk [tilespmem:v15+s24+$0x0], $0xffff;
	v29 =	vadd.f32 v31, v29;
	v10 =	vadd.f32 $0.0e+00, v10  }
0xb1: {  	v17 =	vld.idx.msk [tilespmem:v17+s24+$0x0], $0xffff;
	v23 =	vmul.f32 v23, v5;
	(erf) = vrcp.f32 v28;
	v22 =	vadd.f32 v22, v44  }
0xb2: {  	v11 =	vld.idx.msk [tilespmem:v11+s24+$0x0], $0xffff;
	v20 =	vadd.f32 v20, v29;
	v45 =	vmul.f32 v27, v7;
	v10 =	vadd.f32 v16, v10  }
0xb3: {  	v3 =	vld.idx.msk [tilespmem:v3+s24+$0x0], $0xffff;
	v24 =	vmul.f32 v24, v8;
	v46 =	vadd.f32 v25, v22;
	v14 =	vmul.f32 v14, v5  }
0xb4: {  	v19 =	vld.idx.msk [tilespmem:v19+s24+$0x0], $0xffff;
	v20 =	vadd.f32 v23, v20;
	v47 =	vmul.f32 v13, v5;
	v7 =	vadd.f32 v45, v10  }
0xb5: {  	v49 =	vld.idx.msk [tilespmem:v18+s24+$0x0], $0xffff;
	v15 =	vmul.f32 v15, v8;
	v14 =	vadd.f32 v14, v46  }
0xb6: {  	v6 =	vld.idx.msk [tilespmem:v6+s24+$0x0], $0xffff;
	v51 =	vmul.f32 v17, v8;
	v48 =	vadd.f32 v24, v20;
	v5 =	vadd.f32 v47, v7  }
0xb7: {  	v4 =	vld.idx.msk [tilespmem:v4+s24+$0x0], $0xffff;
	v54 =	vmul.f32 v9, v1;
	v11 =	vmul.f32 v11, v1;
	v53 =	vadd.f32 v15, v14  }
0xb8: {  	v50 =	vmul.f32 v21, v2;
	v52 =	vadd.f32 v12, v48;
	v5 =	vadd.f32 v51, v5  }
0xb9: {  	v57 =	vmul.f32 v19, v2;
	v3 =	vmul.f32 v3, v0;
	v56 =	vadd.f32 v11, v53  }
0xba: {  	v58 =	vmul.f32 v49, v2;
	v55 =	vadd.f32 v50, v52;
	v1 =	vadd.f32 v54, v5  }
0xbb: {  	v6 =	vmul.f32 v6, v0;
	v59 =	vadd.f32 v57, v56  }
0xbc: {  	v60 =	vmul.f32 v4, v0;
	v3 =	vadd.f32 v3, v55;
	v1 =	vadd.f32 v58, v1  }
0xbd: {  	v61 =	vpop (erf);
	v62 =	vadd.f32 v6, v59  }
0xbe: {  	v3 =	vmul.f32 v3, v61;
	v0 =	vadd.f32 v60, v1  }
0xbf: {  	v63 =	vmul.f32 v62, v61  }
0xc0: {  	[tilespmem:s0+$0xFFFFFCA0] =	vst v3;
	v0 =	vmul.f32 v0, v61  }
0xc1: {  	[tilespmem:s0+$0x0] =	vst v63  }
0xc2: {  	s28 =	simm.s32 $0x4E00;
	[tilespmem:s0+$0x360] =	vst v0  }
0xc3: {  	[hbm4b:s20+s2] =	stream.linear.scatter [tilespmem:s28], [sflag:$0x1], $0x360, $0x38;
	[tilespmem:$0x5880] =	vst v63  }
0xc4: {  	_ =	swait.ge [sflag:s25], $0x360  }
0xc5: {  	[sflag:s25] =	ssyncset.done $0x0  }
0xc6: {  	s30 =	simm.s32 $0x5160;
	[sflag:s25] =	ssyncadd.s32 $0xFFFFFCA0  }
0xc7: {  	[hbm4b:s21+s2] =	stream.linear.scatter [tilespmem:s30], [sflag:$0x1], $0x360, $0x38;
	[tilespmem:$0x5880] =	vst v63  }
0xc8: {  	s29 =	sadd.s32 $0x1, s29;
	_ =	swait.ge [sflag:s25], $0x360  }
0xc9: {  	p0 =	sne.s32 s29, s23;
	[sflag:s25] =	ssyncset.done $0x0  }
.Ltmp1:
0xca: {  	s31 =	simm.s32 $0x54C0;
	[sflag:s25] =	ssyncadd.s32 $0xFFFFFCA0;
	(pc) =	sbr.rel @p0 .LBB2_1-.Ltmp1, $4  }
0xcb: {  	[hbm4b:s22+s2] =	stream.linear.scatter [tilespmem:s31], [sflag:$0x1], $0x360, $0x38;
	[tilespmem:$0x5880] =	vst v63  }
0xcc: {  	_ =	swait.ge [sflag:s25], $0x360  }
0xcd: {  	[sflag:s25] =	ssyncset.done $0x0  }
0xce: {  	[sflag:s25] =	ssyncadd.s32 $0xFFFFFCA0  }
0xcf: {  	_ =	sfence.sel $0x180000  }
0xd0: {  	[bflag:$0x0] =	sbarrier.arrive $0xFFFF  }
0xd1: {  	_ =	strace $0x90000047  }
0xd2: {  	s0 =	stileid.u32;
	[bflag:$0x2] =	sbarrier.arrive $0xFFFF  }
0xd3: {  	p0 =	sne.s32 s0, $0x0;
	s0 =	rddreg [dreg:$0x1]  }
0xd4: {  	s0 =	sadd.s32 @!p0 $0x100000, s0  }
0xd5: {  	[sflag:s0] =	ssyncadd.tile.s32 @!p0 $0x1;
	_ =	shalt  }
.Lfunc_end2:
_tile_overlayer_lowered:
.L_overlay_start_2:
0xd6: {  	(tag) =	ssettag $0x2  }
0xd7: {  	s0 =	rddreg [dreg:$0x0];
	s2 =	stileid.u32  }
0xd8: {  	s1 =	rddreg [dreg:$0x1];
	p0 =	sne.s32 s2, $0x0  }
0xd9: {  	s3 =	rddreg [dreg:$0x2];
	[bflag:$0x3] =	sbarrier.arrive $0xFFFF;
	s2 =	simm.s32 @!p0 $0x1C01  }
0xda: {  	[timem:s3], [sflag:s2] =	dma.local @!p0 [hbm:s0], s1  }
0xdb: {  	s0 =	simm.s32 @!p0 $0x1  }
0xdc: {  	_ =	swait.ge @!p0 [sflag:s0], s1  }
0xdd: {  	s1 =	ssub.s32 @!p0 $0x0, s1;
	[sflag:s0] =	ssyncset.done @!p0 $0x0  }
0xde: {  	[sflag:s0] =	ssyncadd.s32 @!p0 s1  }
0xdf: {  	[bflag:$0x3] =	sbarrier.arrive $0xFFFF  }
0xe0: {  	_ =	shalt  }

</sc_bundles>
